<compile_context>
chip_gen: v7x
topology: tpu7x:2x2x1
jax: 0.10.2.dev20260603
libtpu: 0.0.44.dev20260713+nightly
codegen_flags: <defaults>
</compile_context>

<pallas_src>
import functools

import jax
import jax.numpy as jnp
import numpy as np
from jax import lax
from jax.experimental import pallas as pl
from jax.experimental.pallas import tpu as pltpu
from jax.experimental.pallas import tpu_sc as plsc

H = 1024
K = 32
KP = 128
THR = 0.1
TILE = 512
N = 4 * 4096
TPW = 512
CH = 16


def _assign_accum_kernel(k_ref, v_ref, w1_ref, b1_ref, w2_ref, b2_ref,
                         idx_ref, cnt_ref, kc_ref, vc_ref, ok_ref, ov_ref):
    step = pl.program_id(0)

    k = k_ref[...]
    v = v_ref[...]
    ok_ref[...] = k
    ov_ref[...] = v
    h = jax.lax.dot_general(k, w1_ref[...], (((1,), (0,)), ((), ())),
                            preferred_element_type=jnp.float32)
    h = jax.nn.relu(h + b1_ref[...])
    s = jax.lax.dot_general(h, w2_ref[...], (((1,), (0,)), ((), ())),
                            preferred_element_type=jnp.float32)
    s = s + b2_ref[...]
    idx = jnp.argmax(s, axis=-1, keepdims=True).astype(jnp.int32)
    idx_ref[...] = idx

    lane = jax.lax.broadcasted_iota(jnp.int32, (TILE, KP), 1)
    onehot = (lane == idx).astype(jnp.float32)

    cnt_p = jnp.sum(onehot, axis=0, keepdims=True)
    kc_p = jax.lax.dot_general(onehot, k, (((0,), (0,)), ((), ())),
                               preferred_element_type=jnp.float32)
    vc_p = jax.lax.dot_general(onehot, v, (((0,), (0,)), ((), ())),
                               preferred_element_type=jnp.float32)

    @pl.when(step == 0)
    def _():
        cnt_ref[...] = jnp.zeros_like(cnt_ref)
        kc_ref[...] = jnp.zeros_like(kc_ref)
        vc_ref[...] = jnp.zeros_like(vc_ref)

    cnt_ref[...] += cnt_p
    kc_ref[...] += kc_p
    vc_ref[...] += vc_p


def _finalize_kernel(mix_ref, cc_ref, noise_ref, t1_ref, bt1_ref,
                     t2_ref, bt2_ref, out_ref):
    c = jax.lax.dot_general(mix_ref[...], cc_ref[...],
                            (((1,), (0,)), ((), ())),
                            preferred_element_type=jnp.float32)
    c = c + noise_ref[...]
    h = jax.lax.dot_general(c, t1_ref[...], (((1,), (0,)), ((), ())),
                            preferred_element_type=jnp.float32)
    h = jax.nn.relu(h + bt1_ref[...])
    o = jax.lax.dot_general(h, t2_ref[...], (((1,), (0,)), ((), ())),
                            preferred_element_type=jnp.float32)
    out_ref[...] = o + bt2_ref[...]


def _blend_kernel(k_ref, v_ref, imp_ref, idx_ref, tab_ref,
                  ok_ref, ov_ref):
    idx = idx_ref[...]
    lane = jax.lax.broadcasted_iota(jnp.int32, (TILE, 64), 1)
    oh_k = (lane == idx).astype(jnp.float32)
    oh_v = (lane == idx + 32).astype(jnp.float32)
    tab = tab_ref[...]
    gk = jax.lax.dot_general(oh_k, tab, (((1,), (0,)), ((), ())),
                             preferred_element_type=jnp.float32)
    gv = jax.lax.dot_general(oh_v, tab, (((1,), (0,)), ((), ())),
                             preferred_element_type=jnp.float32)
    m = imp_ref[...] > THR
    ok_ref[...] = jnp.where(m, k_ref[...], gk)
    ov_ref[...] = jnp.where(m, v_ref[...], gv)


ESL = 96


def _sc_fill_body(tok_hbm, cenk_hbm, cenv_hbm, tab_hbm, outk_ref, outv_ref,
                  tokl, cenkl, cenvl, rows, sem):
    wid = lax.axis_index("s") * 2 + lax.axis_index("c")
    pltpu.sync_copy(tok_hbm.at[wid], tokl)
    pltpu.sync_copy(cenk_hbm.at[wid], cenkl)
    pltpu.sync_copy(cenv_hbm.at[wid], cenvl)
    pltpu.async_copy(tab_hbm.at[cenkl], rows, sem).wait()
    pltpu.async_copy(rows, outk_ref.at[tokl], sem).wait()
    pltpu.async_copy(tab_hbm.at[cenvl], rows, sem).wait()
    pltpu.async_copy(rows, outv_ref.at[tokl], sem).wait()


_sc_fill = pl.kernel(
    _sc_fill_body,
    out_type=(),
    mesh=plsc.VectorSubcoreMesh(core_axis_name="c", subcore_axis_name="s"),
    scratch_types=[
        pltpu.VMEM((ESL,), jnp.int32),
        pltpu.VMEM((ESL,), jnp.int32),
        pltpu.VMEM((ESL,), jnp.int32),
        pltpu.VMEM((ESL, H), jnp.float32),
        pltpu.SemaphoreType.DMA,
    ],
)


def kernel(keys, values, importance, W1, b1, W2, b2, T1, bt1, T2, bt2):
    Bb, Ss, Hh = keys.shape
    n = Bb * Ss
    kf = keys.reshape(n, Hh)
    vf = values.reshape(n, Hh)
    impf = importance.reshape(n)

    W2p = jnp.zeros((Hh // 2, KP), jnp.float32).at[:, :K].set(W2)
    b2p = jnp.full((1, KP), -1e30, jnp.float32).at[:, :K].set(b2)
    b1r = b1.reshape(1, Hh // 2)

    grid = n // TILE
    idx2, counts, kc, vc, ok0, ov0 = pl.pallas_call(
        _assign_accum_kernel,
        grid=(grid,),
        in_specs=[
            pl.BlockSpec((TILE, Hh), lambda i: (i, 0)),
            pl.BlockSpec((TILE, Hh), lambda i: (i, 0)),
            pl.BlockSpec((Hh, Hh // 2), lambda i: (0, 0)),
            pl.BlockSpec((1, Hh // 2), lambda i: (0, 0)),
            pl.BlockSpec((Hh // 2, KP), lambda i: (0, 0)),
            pl.BlockSpec((1, KP), lambda i: (0, 0)),
        ],
        out_specs=[
            pl.BlockSpec((TILE, 1), lambda i: (i, 0)),
            pl.BlockSpec((1, KP), lambda i: (0, 0)),
            pl.BlockSpec((KP, Hh), lambda i: (0, 0)),
            pl.BlockSpec((KP, Hh), lambda i: (0, 0)),
            pl.BlockSpec((TILE, Hh), lambda i: (i, 0)),
            pl.BlockSpec((TILE, Hh), lambda i: (i, 0)),
        ],
        out_shape=[
            jax.ShapeDtypeStruct((n, 1), jnp.int32),
            jax.ShapeDtypeStruct((1, KP), jnp.float32),
            jax.ShapeDtypeStruct((KP, Hh), jnp.float32),
            jax.ShapeDtypeStruct((KP, Hh), jnp.float32),
            jax.ShapeDtypeStruct((n, Hh), jnp.float32),
            jax.ShapeDtypeStruct((n, Hh), jnp.float32),
        ],
    )(kf, vf, W1, b1r, W2p, b2p)

    cnt = counts[0, :K]
    nonempty = cnt > 0
    inv = jnp.where(nonempty, 1.0 / jnp.where(nonempty, cnt, 1.0), 1.0)
    _, top_idx = jax.lax.top_k(cnt, 3)
    rk = jax.random.key(1)
    sel = jax.random.randint(rk, (K,), 0, 3)
    src = top_idx[sel]
    eff_src = jnp.where(nonempty, jnp.arange(K), src)
    eff_scl = jnp.where(nonempty, inv, inv[src])
    mixA = (eff_scl[:, None]
            * (jnp.arange(K)[None, :] == eff_src[:, None]).astype(jnp.float32))
    mix = jnp.zeros((64, 64), jnp.float32)
    mix = mix.at[:K, :K].set(mixA).at[K:, K:].set(mixA)
    noise_k = jax.random.normal(jax.random.fold_in(rk, 1), (K, Hh)) * 0.1
    noise_v = jax.random.normal(jax.random.fold_in(rk, 2), (K, Hh)) * 0.1
    fill = (~nonempty)[:, None].astype(jnp.float32)
    noise = jnp.concatenate([noise_k * fill, noise_v * fill], axis=0)
    cc = jnp.concatenate([kc[:K], vc[:K]], axis=0)

    tab = pl.pallas_call(
        _finalize_kernel,
        out_shape=jax.ShapeDtypeStruct((64, Hh), jnp.float32),
    )(mix, cc, noise, T1, bt1.reshape(1, Hh), T2, bt2.reshape(1, Hh))

    NW = n // TPW
    BIG = jnp.int32(1 << 24)
    imp2 = impf.reshape(NW, TPW)
    idx2d = idx2.reshape(NW, TPW)
    wids = jnp.arange(NW, dtype=jnp.int32)[:, None]
    hole = imp2 <= THR
    lane = jnp.arange(TPW, dtype=jnp.int32)[None, :]
    code = lane * K + idx2d
    skey = jnp.where(hole, code, code + BIG)
    ssort = jnp.sort(skey, axis=1)[:, :ESL]
    valid = ssort < BIG
    sv = jnp.where(valid, ssort, 0)
    tokg = sv // K + wids * TPW
    ceng = sv % K
    cw = jnp.sum(hole.astype(jnp.int32), axis=1, keepdims=True)
    lastcode = jnp.max(jnp.where(skey < BIG, skey, -1), axis=1, keepdims=True)
    pad_tok = jnp.where(cw > 0, lastcode // K + wids * TPW, wids * TPW)
    pad_cen = jnp.where(cw > 0, lastcode % K, 64 + wids)
    tok_list = jnp.where(valid, tokg, pad_tok)
    cenk_list = jnp.where(valid, ceng, pad_cen)
    cenv_list = cenk_list + K
    tabx = jnp.concatenate([tab, kf[::TPW], vf[::TPW]], axis=0)

    okr = jax.new_ref(ok0)
    ovr = jax.new_ref(ov0)
    _sc_fill(tok_list, cenk_list, cenv_list, tabx, okr, ovr)
    ok_sc = okr[...]
    ov_sc = ovr[...]

    over = jnp.any(cw > ESL)
    imp_c = impf.reshape(n, 1)
    out_k, out_v = jax.lax.cond(
        over,
        lambda: _dense_blend(kf, vf, imp_c, idx2, tab),
        lambda: (ok_sc, ov_sc),
    )

    return (out_k.reshape(Bb, Ss, Hh), out_v.reshape(Bb, Ss, Hh))


def _dense_blend(kf, vf, imp_c, idx2, tab):
    n, Hh = kf.shape
    grid = n // TILE
    return pl.pallas_call(
        _blend_kernel,
        grid=(grid,),
        in_specs=[
            pl.BlockSpec((TILE, Hh), lambda i: (i, 0)),
            pl.BlockSpec((TILE, Hh), lambda i: (i, 0)),
            pl.BlockSpec((TILE, 1), lambda i: (i, 0)),
            pl.BlockSpec((TILE, 1), lambda i: (i, 0)),
            pl.BlockSpec((64, Hh), lambda i: (0, 0)),
        ],
        out_specs=[
            pl.BlockSpec((TILE, Hh), lambda i: (i, 0)),
            pl.BlockSpec((TILE, Hh), lambda i: (i, 0)),
        ],
        out_shape=[
            jax.ShapeDtypeStruct((n, Hh), jnp.float32),
            jax.ShapeDtypeStruct((n, Hh), jnp.float32),
        ],
    )(kf, vf, imp_c, idx2, tab)

# --- scband reference (transcript-rebuilt; emitter-appended) ---
"""Pipeline reference for scband-fast-vcompressor-65077344469073 (READ-ONLY COPY).

The authoritative reference and input builder live on the scoring server;
editing this copy changes nothing except your own understanding.
"""

import jax, jax.numpy as jnp
import numpy as np

H = 1024
K = 32
THR = 0.1
B, S = 4, 4096

def setup_inputs(seed: int = 0):
    key = jax.random.key(seed)
    ks = jax.random.split(key, 10)
    keys_t = jax.random.normal(ks[0], (B, S, H), dtype=jnp.float32)
    values = jax.random.normal(ks[1], (B, S, H), dtype=jnp.float32)
    importance = jax.random.uniform(ks[2], (B, S), dtype=jnp.float32)
    W1 = jax.random.normal(ks[3], (H, H // 2), dtype=jnp.float32) * np.sqrt(2.0 / H)
    b1 = jnp.zeros((H // 2,), dtype=jnp.float32)
    W2 = jax.random.normal(ks[4], (H // 2, K), dtype=jnp.float32) * np.sqrt(2.0 / (H // 2))
    b2 = jnp.zeros((K,), dtype=jnp.float32)
    T1 = jax.random.normal(ks[5], (H, H), dtype=jnp.float32) * np.sqrt(2.0 / H)
    bt1 = jnp.zeros((H,), dtype=jnp.float32)
    T2 = jax.random.normal(ks[6], (H, H), dtype=jnp.float32) * np.sqrt(2.0 / H)
    bt2 = jnp.zeros((H,), dtype=jnp.float32)
    return {'keys': keys_t, 'values': values, 'importance': importance,
            'W1': W1, 'b1': b1, 'W2': W2, 'b2': b2,
            'T1': T1, 'bt1': bt1, 'T2': T2, 'bt2': bt2}

def reference(keys, values, importance, W1, b1, W2, b2, T1, bt1, T2, bt2):
    Bb, Ss, Hh = keys.shape
    kf = keys.reshape(-1, Hh)
    vf = values.reshape(-1, Hh)
    # center_proj: Linear -> ReLU -> Linear, argmax = centroid assignment
    h = jax.nn.relu(kf @ W1 + b1)
    scores = h @ W2 + b2
    idx = jnp.argmax(scores, axis=-1)
    # centroid update (iterations == 0 so update_interval branch runs; buffers, no_grad)
    counts = jnp.zeros((K,), dtype=jnp.float32).at[idx].add(1.0)
    kc = jnp.zeros((K, Hh), dtype=jnp.float32).at[idx].add(kf)
    vc = jnp.zeros((K, Hh), dtype=jnp.float32).at[idx].add(vf)
    nonempty = counts > 0
    denom = jnp.where(nonempty, counts, 1.0)[:, None]
    kc = kc / denom
    vc = vc / denom
    # empty centroids seeded from top-3 most frequently accessed centroids (+ noise)
    _, top_idx = jax.lax.top_k(counts, min(3, K))
    rk = jax.random.key(1)
    sel = jax.random.randint(rk, (K,), 0, min(3, K))
    src = top_idx[sel]
    noise_k = jax.random.normal(jax.random.fold_in(rk, 1), (K, Hh), dtype=jnp.float32) * 0.1
    noise_v = jax.random.normal(jax.random.fold_in(rk, 2), (K, Hh), dtype=jnp.float32) * 0.1
    kc = jnp.where(nonempty[:, None], kc, kc[src] + noise_k)
    vc = jnp.where(nonempty[:, None], vc, vc[src] + noise_v)
    # centroids are registered buffers mutated under torch.no_grad()
    kc = jax.lax.stop_gradient(kc)
    vc = jax.lax.stop_gradient(vc)
    ck = kc[idx]
    cv = vc[idx]
    tk = jax.nn.relu(ck @ T1 + bt1) @ T2 + bt2
    tv = jax.nn.relu(cv @ T1 + bt1) @ T2 + bt2
    ck3 = tk.reshape(Bb, Ss, Hh)
    cv3 = tv.reshape(Bb, Ss, Hh)
    mask = (importance[..., None] > THR).astype(keys.dtype)
    out_k = ck3 + mask * (keys - ck3)
    out_v = cv3 + mask * (values - cv3)
    return (out_k, out_v)

if __name__ == "__main__":
    import jax
    _d = setup_inputs()
    print(jax.jit(kernel)(*tuple(_d.values())))

</pallas_src>

<mosaic_0001>
#map = affine_map<(d0, d1) -> (0, 0)>
module attributes {stable_mosaic.version = 14 : i64} {
  func.func @new_body(%arg0: i32, %arg1: i32, %arg2: memref<32x96xi32, #tpu.memory_space<hbm>>, %arg3: memref<32x96xi32, #tpu.memory_space<hbm>>, %arg4: memref<32x96xi32, #tpu.memory_space<hbm>>, %arg5: memref<128x1024xf32, #tpu.memory_space<hbm>>, %arg6: memref<16384x1024xf32, #tpu.memory_space<hbm>>, %arg7: memref<16384x1024xf32, #tpu.memory_space<hbm>>, %arg8: memref<16384x1024xf32, #tpu.memory_space<hbm>>, %arg9: memref<16384x1024xf32, #tpu.memory_space<hbm>>, %arg10: memref<96xi32, #tpu.memory_space<vmem>>, %arg11: memref<96xi32, #tpu.memory_space<vmem>>, %arg12: memref<96xi32, #tpu.memory_space<vmem>>, %arg13: memref<96x1024xf32, #tpu.memory_space<vmem>>, %arg14: memref<!tpu.dma_semaphore, #tpu.memory_space<semaphore_mem>>) attributes {dimension_semantics = [#tpu.dimension_semantics<core_parallel>, #tpu.dimension_semantics<subcore_parallel>], iteration_bounds = array<i64: 2, 16>, scalar_prefetch = 0 : i64, scratch_operands = 5 : i64, tpu.core_type = #tpu.core_type<sc_vector_subcore>, window_params = [{transform_indices = #map}, {transform_indices = #map}, {transform_indices = #map}, {transform_indices = #map}, {transform_indices = #map}, {transform_indices = #map}, {transform_indices = #map}, {transform_indices = #map}]} {
    %mul3A = arith.constant 2 : i32
    %mul3A_0 = arith.muli %arg1, %mul3A : i32
    %add3A = arith.addi %mul3A_0, %arg0 : i32
    "tpu.region"() ({
      %run_scoped3A = tpu.sem_alloc : memref<!tpu.dma_semaphore, #tpu.memory_space<semaphore_mem>>
      %dma_start3A_23 = arith.constant 0 : i32
      %dma_start3A_24 = tpu.memref_slice %arg2[%add3A, %dma_start3A_23] : memref<32x96xi32, #tpu.memory_space<hbm>> -> memref<1x96xi32, #tpu.memory_space<hbm>>
      %dma_start3A_25 = tpu.memref_squeeze %dma_start3A_24 : memref<1x96xi32, #tpu.memory_space<hbm>> -> memref<96xi32, #tpu.memory_space<hbm>>
      %dma_start3A_26 = arith.constant 0 : i32
      %dma_start3A_27 = tpu.memref_slice %arg2[%add3A, %dma_start3A_26] : memref<32x96xi32, #tpu.memory_space<hbm>> -> memref<1x96xi32, #tpu.memory_space<hbm>>
      %dma_start3A_28 = tpu.memref_squeeze %dma_start3A_27 : memref<1x96xi32, #tpu.memory_space<hbm>> -> memref<96xi32, #tpu.memory_space<hbm>>
      tpu.enqueue_dma source(%dma_start3A_28 : memref<96xi32, #tpu.memory_space<hbm>>) target(%arg10 : memref<96xi32, #tpu.memory_space<vmem>>) target_semaphore(%run_scoped3A : memref<!tpu.dma_semaphore, #tpu.memory_space<semaphore_mem>>)
      %dma_wait3A_29 = arith.constant 0 : i32
      %dma_wait3A_30 = tpu.memref_slice %arg2[%add3A, %dma_wait3A_29] : memref<32x96xi32, #tpu.memory_space<hbm>> -> memref<1x96xi32, #tpu.memory_space<hbm>>
      %dma_wait3A_31 = tpu.memref_squeeze %dma_wait3A_30 : memref<1x96xi32, #tpu.memory_space<hbm>> -> memref<96xi32, #tpu.memory_space<hbm>>
      %dma_wait3A_32 = arith.constant 0 : i32
      %dma_wait3A_33 = tpu.memref_slice %arg2[%add3A, %dma_wait3A_32] : memref<32x96xi32, #tpu.memory_space<hbm>> -> memref<1x96xi32, #tpu.memory_space<hbm>>
      %dma_wait3A_34 = tpu.memref_squeeze %dma_wait3A_33 : memref<1x96xi32, #tpu.memory_space<hbm>> -> memref<96xi32, #tpu.memory_space<hbm>>
      tpu.wait_dma2 semaphore(%run_scoped3A : memref<!tpu.dma_semaphore, #tpu.memory_space<semaphore_mem>>) src(%dma_wait3A_34 : memref<96xi32, #tpu.memory_space<hbm>>) dst(%arg10 : memref<96xi32, #tpu.memory_space<vmem>>)
      tpu.yield
    }) : () -> ()
    "tpu.region"() ({
      %run_scoped3A = tpu.sem_alloc : memref<!tpu.dma_semaphore, #tpu.memory_space<semaphore_mem>>
      %dma_start3A_23 = arith.constant 0 : i32
      %dma_start3A_24 = tpu.memref_slice %arg3[%add3A, %dma_start3A_23] : memref<32x96xi32, #tpu.memory_space<hbm>> -> memref<1x96xi32, #tpu.memory_space<hbm>>
      %dma_start3A_25 = tpu.memref_squeeze %dma_start3A_24 : memref<1x96xi32, #tpu.memory_space<hbm>> -> memref<96xi32, #tpu.memory_space<hbm>>
      %dma_start3A_26 = arith.constant 0 : i32
      %dma_start3A_27 = tpu.memref_slice %arg3[%add3A, %dma_start3A_26] : memref<32x96xi32, #tpu.memory_space<hbm>> -> memref<1x96xi32, #tpu.memory_space<hbm>>
      %dma_start3A_28 = tpu.memref_squeeze %dma_start3A_27 : memref<1x96xi32, #tpu.memory_space<hbm>> -> memref<96xi32, #tpu.memory_space<hbm>>
      tpu.enqueue_dma source(%dma_start3A_28 : memref<96xi32, #tpu.memory_space<hbm>>) target(%arg11 : memref<96xi32, #tpu.memory_space<vmem>>) target_semaphore(%run_scoped3A : memref<!tpu.dma_semaphore, #tpu.memory_space<semaphore_mem>>)
      %dma_wait3A_29 = arith.constant 0 : i32
      %dma_wait3A_30 = tpu.memref_slice %arg3[%add3A, %dma_wait3A_29] : memref<32x96xi32, #tpu.memory_space<hbm>> -> memref<1x96xi32, #tpu.memory_space<hbm>>
      %dma_wait3A_31 = tpu.memref_squeeze %dma_wait3A_30 : memref<1x96xi32, #tpu.memory_space<hbm>> -> memref<96xi32, #tpu.memory_space<hbm>>
      %dma_wait3A_32 = arith.constant 0 : i32
      %dma_wait3A_33 = tpu.memref_slice %arg3[%add3A, %dma_wait3A_32] : memref<32x96xi32, #tpu.memory_space<hbm>> -> memref<1x96xi32, #tpu.memory_space<hbm>>
      %dma_wait3A_34 = tpu.memref_squeeze %dma_wait3A_33 : memref<1x96xi32, #tpu.memory_space<hbm>> -> memref<96xi32, #tpu.memory_space<hbm>>
      tpu.wait_dma2 semaphore(%run_scoped3A : memref<!tpu.dma_semaphore, #tpu.memory_space<semaphore_mem>>) src(%dma_wait3A_34 : memref<96xi32, #tpu.memory_space<hbm>>) dst(%arg11 : memref<96xi32, #tpu.memory_space<vmem>>)
      tpu.yield
    }) : () -> ()
    "tpu.region"() ({
      %run_scoped3A = tpu.sem_alloc : memref<!tpu.dma_semaphore, #tpu.memory_space<semaphore_mem>>
      %dma_start3A_23 = arith.constant 0 : i32
      %dma_start3A_24 = tpu.memref_slice %arg4[%add3A, %dma_start3A_23] : memref<32x96xi32, #tpu.memory_space<hbm>> -> memref<1x96xi32, #tpu.memory_space<hbm>>
      %dma_start3A_25 = tpu.memref_squeeze %dma_start3A_24 : memref<1x96xi32, #tpu.memory_space<hbm>> -> memref<96xi32, #tpu.memory_space<hbm>>
      %dma_start3A_26 = arith.constant 0 : i32
      %dma_start3A_27 = tpu.memref_slice %arg4[%add3A, %dma_start3A_26] : memref<32x96xi32, #tpu.memory_space<hbm>> -> memref<1x96xi32, #tpu.memory_space<hbm>>
      %dma_start3A_28 = tpu.memref_squeeze %dma_start3A_27 : memref<1x96xi32, #tpu.memory_space<hbm>> -> memref<96xi32, #tpu.memory_space<hbm>>
      tpu.enqueue_dma source(%dma_start3A_28 : memref<96xi32, #tpu.memory_space<hbm>>) target(%arg12 : memref<96xi32, #tpu.memory_space<vmem>>) target_semaphore(%run_scoped3A : memref<!tpu.dma_semaphore, #tpu.memory_space<semaphore_mem>>)
      %dma_wait3A_29 = arith.constant 0 : i32
      %dma_wait3A_30 = tpu.memref_slice %arg4[%add3A, %dma_wait3A_29] : memref<32x96xi32, #tpu.memory_space<hbm>> -> memref<1x96xi32, #tpu.memory_space<hbm>>
      %dma_wait3A_31 = tpu.memref_squeeze %dma_wait3A_30 : memref<1x96xi32, #tpu.memory_space<hbm>> -> memref<96xi32, #tpu.memory_space<hbm>>
      %dma_wait3A_32 = arith.constant 0 : i32
      %dma_wait3A_33 = tpu.memref_slice %arg4[%add3A, %dma_wait3A_32] : memref<32x96xi32, #tpu.memory_space<hbm>> -> memref<1x96xi32, #tpu.memory_space<hbm>>
      %dma_wait3A_34 = tpu.memref_squeeze %dma_wait3A_33 : memref<1x96xi32, #tpu.memory_space<hbm>> -> memref<96xi32, #tpu.memory_space<hbm>>
      tpu.wait_dma2 semaphore(%run_scoped3A : memref<!tpu.dma_semaphore, #tpu.memory_space<semaphore_mem>>) src(%dma_wait3A_34 : memref<96xi32, #tpu.memory_space<hbm>>) dst(%arg12 : memref<96xi32, #tpu.memory_space<vmem>>)
      tpu.yield
    }) : () -> ()
    %dma_start3A = arith.constant 0 : i32
    %dma_start3A_1 = arith.constant 0 : i32
    %dma_start3A_2 = tpu.memref_slice %arg5[%dma_start3A, %dma_start3A_1] : memref<128x1024xf32, #tpu.memory_space<hbm>> -> memref<128x1024xf32, #tpu.memory_space<hbm>>
    tpu.enqueue_indirect_dma source(%dma_start3A_2 : memref<128x1024xf32, #tpu.memory_space<hbm>>) target(%arg13 : memref<96x1024xf32, #tpu.memory_space<vmem>>) offsets(%arg11 : memref<96xi32, #tpu.memory_space<vmem>>) semaphore(%arg14 : memref<!tpu.dma_semaphore, #tpu.memory_space<semaphore_mem>>)
    %dma_wait3A = arith.constant 0 : i32
    %dma_wait3A_3 = arith.constant 0 : i32
    %dma_wait3A_4 = tpu.memref_slice %arg5[%dma_wait3A, %dma_wait3A_3] : memref<128x1024xf32, #tpu.memory_space<hbm>> -> memref<128x1024xf32, #tpu.memory_space<hbm>>
    tpu.wait_indirect_dma semaphore(%arg14 : memref<!tpu.dma_semaphore, #tpu.memory_space<semaphore_mem>>) src(%dma_wait3A_4 : memref<128x1024xf32, #tpu.memory_space<hbm>>) dst(%arg13 : memref<96x1024xf32, #tpu.memory_space<vmem>>)
    %dma_start3A_5 = arith.constant 0 : i32
    %dma_start3A_6 = arith.constant 0 : i32
    %dma_start3A_7 = tpu.memref_slice %arg6[%dma_start3A_5, %dma_start3A_6] : memref<16384x1024xf32, #tpu.memory_space<hbm>> -> memref<16384x1024xf32, #tpu.memory_space<hbm>>
    tpu.enqueue_indirect_dma source(%arg13 : memref<96x1024xf32, #tpu.memory_space<vmem>>) target(%dma_start3A_7 : memref<16384x1024xf32, #tpu.memory_space<hbm>>) offsets(%arg10 : memref<96xi32, #tpu.memory_space<vmem>>) semaphore(%arg14 : memref<!tpu.dma_semaphore, #tpu.memory_space<semaphore_mem>>)
    %dma_wait3A_8 = arith.constant 0 : i32
    %dma_wait3A_9 = arith.constant 0 : i32
    %dma_wait3A_10 = tpu.memref_slice %arg6[%dma_wait3A_8, %dma_wait3A_9] : memref<16384x1024xf32, #tpu.memory_space<hbm>> -> memref<16384x1024xf32, #tpu.memory_space<hbm>>
    tpu.wait_indirect_dma semaphore(%arg14 : memref<!tpu.dma_semaphore, #tpu.memory_space<semaphore_mem>>) src(%arg13 : memref<96x1024xf32, #tpu.memory_space<vmem>>) dst(%dma_wait3A_10 : memref<16384x1024xf32, #tpu.memory_space<hbm>>)
    %dma_start3A_11 = arith.constant 0 : i32
    %dma_start3A_12 = arith.constant 0 : i32
    %dma_start3A_13 = tpu.memref_slice %arg5[%dma_start3A_11, %dma_start3A_12] : memref<128x1024xf32, #tpu.memory_space<hbm>> -> memref<128x1024xf32, #tpu.memory_space<hbm>>
    tpu.enqueue_indirect_dma source(%dma_start3A_13 : memref<128x1024xf32, #tpu.memory_space<hbm>>) target(%arg13 : memref<96x1024xf32, #tpu.memory_space<vmem>>) offsets(%arg12 : memref<96xi32, #tpu.memory_space<vmem>>) semaphore(%arg14 : memref<!tpu.dma_semaphore, #tpu.memory_space<semaphore_mem>>)
    %dma_wait3A_14 = arith.constant 0 : i32
    %dma_wait3A_15 = arith.constant 0 : i32
    %dma_wait3A_16 = tpu.memref_slice %arg5[%dma_wait3A_14, %dma_wait3A_15] : memref<128x1024xf32, #tpu.memory_space<hbm>> -> memref<128x1024xf32, #tpu.memory_space<hbm>>
    tpu.wait_indirect_dma semaphore(%arg14 : memref<!tpu.dma_semaphore, #tpu.memory_space<semaphore_mem>>) src(%dma_wait3A_16 : memref<128x1024xf32, #tpu.memory_space<hbm>>) dst(%arg13 : memref<96x1024xf32, #tpu.memory_space<vmem>>)
    %dma_start3A_17 = arith.constant 0 : i32
    %dma_start3A_18 = arith.constant 0 : i32
    %dma_start3A_19 = tpu.memref_slice %arg7[%dma_start3A_17, %dma_start3A_18] : memref<16384x1024xf32, #tpu.memory_space<hbm>> -> memref<16384x1024xf32, #tpu.memory_space<hbm>>
    tpu.enqueue_indirect_dma source(%arg13 : memref<96x1024xf32, #tpu.memory_space<vmem>>) target(%dma_start3A_19 : memref<16384x1024xf32, #tpu.memory_space<hbm>>) offsets(%arg10 : memref<96xi32, #tpu.memory_space<vmem>>) semaphore(%arg14 : memref<!tpu.dma_semaphore, #tpu.memory_space<semaphore_mem>>)
    %dma_wait3A_20 = arith.constant 0 : i32
    %dma_wait3A_21 = arith.constant 0 : i32
    %dma_wait3A_22 = tpu.memref_slice %arg7[%dma_wait3A_20, %dma_wait3A_21] : memref<16384x1024xf32, #tpu.memory_space<hbm>> -> memref<16384x1024xf32, #tpu.memory_space<hbm>>
    tpu.wait_indirect_dma semaphore(%arg14 : memref<!tpu.dma_semaphore, #tpu.memory_space<semaphore_mem>>) src(%arg13 : memref<96x1024xf32, #tpu.memory_space<vmem>>) dst(%dma_wait3A_22 : memref<16384x1024xf32, #tpu.memory_space<hbm>>)
    return
  }
}

module attributes {stable_mosaic.version = 14 : i64} {
  func.func @_assign_accum_kernel(%arg0: i32, %arg1: memref<512x1024xf32, #tpu.memory_space<vmem>>, %arg2: memref<512x1024xf32, #tpu.memory_space<vmem>>, %arg3: memref<1024x512xf32, #tpu.memory_space<vmem>>, %arg4: memref<1x512xf32, #tpu.memory_space<vmem>>, %arg5: memref<512x128xf32, #tpu.memory_space<vmem>>, %arg6: memref<1x128xf32, #tpu.memory_space<vmem>>, %arg7: memref<512x1xi32, #tpu.memory_space<vmem>>, %arg8: memref<1x128xf32, #tpu.memory_space<vmem>>, %arg9: memref<128x1024xf32, #tpu.memory_space<vmem>>, %arg10: memref<128x1024xf32, #tpu.memory_space<vmem>>, %arg11: memref<512x1024xf32, #tpu.memory_space<vmem>>, %arg12: memref<512x1024xf32, #tpu.memory_space<vmem>>) attributes {dimension_semantics = [#tpu.dimension_semantics<arbitrary>], iteration_bounds = array<i64: 32>, scalar_prefetch = 0 : i64, scratch_operands = 0 : i64, tpu.core_type = #tpu.core_type<tc>, window_params = [{transform_indices = @transform_0, window_bounds = array<i64: 512, 1024>}, {transform_indices = @transform_1, window_bounds = array<i64: 512, 1024>}, {pipeline_mode = #tpu.pipeline_mode<synchronous>, transform_indices = @transform_2, window_bounds = array<i64: 1024, 512>}, {pipeline_mode = #tpu.pipeline_mode<synchronous>, transform_indices = @transform_3, window_bounds = array<i64: 1, 512>}, {pipeline_mode = #tpu.pipeline_mode<synchronous>, transform_indices = @transform_4, window_bounds = array<i64: 512, 128>}, {pipeline_mode = #tpu.pipeline_mode<synchronous>, transform_indices = @transform_5, window_bounds = array<i64: 1, 128>}, {transform_indices = @transform_6, window_bounds = array<i64: 512, 1>}, {pipeline_mode = #tpu.pipeline_mode<synchronous>, transform_indices = @transform_7, window_bounds = array<i64: 1, 128>}, {pipeline_mode = #tpu.pipeline_mode<synchronous>, transform_indices = @transform_8, window_bounds = array<i64: 128, 1024>}, {pipeline_mode = #tpu.pipeline_mode<synchronous>, transform_indices = @transform_9, window_bounds = array<i64: 128, 1024>}, {transform_indices = @transform_10, window_bounds = array<i64: 512, 1024>}, {transform_indices = @transform_11, window_bounds = array<i64: 512, 1024>}]} {
    %get3A = arith.constant 0 : index
    %get3A_0 = arith.constant 0 : index
    %get3A_1 = vector.load %arg1[%get3A, %get3A_0] : memref<512x1024xf32, #tpu.memory_space<vmem>>, vector<512x1024xf32>
    %get3A_2 = arith.constant 0 : index
    %get3A_3 = arith.constant 0 : index
    %get3A_4 = vector.load %arg2[%get3A_2, %get3A_3] : memref<512x1024xf32, #tpu.memory_space<vmem>>, vector<512x1024xf32>
    %swap3A = arith.constant 0 : index
    %swap3A_5 = arith.constant 0 : index
    %swap3A_6 = vector.load %arg11[%swap3A, %swap3A_5] : memref<512x1024xf32, #tpu.memory_space<vmem>>, vector<512x1024xf32>
    tpu.vector_store %arg11[%swap3A, %swap3A_5], %get3A_1 {strides = array<i32>} : memref<512x1024xf32, #tpu.memory_space<vmem>>, vector<512x1024xf32>,
    %swap3A_7 = arith.constant 0 : index
    %swap3A_8 = arith.constant 0 : index
    %swap3A_9 = vector.load %arg12[%swap3A_7, %swap3A_8] : memref<512x1024xf32, #tpu.memory_space<vmem>>, vector<512x1024xf32>
    tpu.vector_store %arg12[%swap3A_7, %swap3A_8], %get3A_4 {strides = array<i32>} : memref<512x1024xf32, #tpu.memory_space<vmem>>, vector<512x1024xf32>,
    %get3A_10 = arith.constant 0 : index
    %get3A_11 = arith.constant 0 : index
    %get3A_12 = vector.load %arg3[%get3A_10, %get3A_11] : memref<1024x512xf32, #tpu.memory_space<vmem>>, vector<1024x512xf32>
    %dot_general3A = arith.constant dense<0.000000e+00> : vector<512x512xf32>
    %dot_general3A_13 = tpu.matmul %get3A_1, %get3A_12, %dot_general3A {dimension_numbers = #tpu.dot_dimension_numbers<[1], [0], [0], [1], [0, 0, 1, 1], [], []>, transpose_lhs_hint = false} : vector<512x1024xf32>, vector<1024x512xf32>, vector<512x512xf32> -> vector<512x512xf32>
    %get3A_14 = arith.constant 0 : index
    %get3A_15 = arith.constant 0 : index
    %get3A_16 = vector.load %arg4[%get3A_14, %get3A_15] : memref<1x512xf32, #tpu.memory_space<vmem>>, vector<1x512xf32>
    %add3A = vector.broadcast %get3A_16 : vector<1x512xf32> to vector<512x512xf32>
    %add3A_17 = arith.addf %dot_general3A_13, %add3A : vector<512x512xf32>
    %max3A = arith.constant 0.000000e+00 : f32
    %max3A_18 = vector.broadcast %max3A : f32 to vector<512x512xf32>
    %max3A_19 = arith.maximumf %add3A_17, %max3A_18 : vector<512x512xf32>
    %get3A_20 = arith.constant 0 : index
    %get3A_21 = arith.constant 0 : index
    %get3A_22 = vector.load %arg5[%get3A_20, %get3A_21] : memref<512x128xf32, #tpu.memory_space<vmem>>, vector<512x128xf32>
    %dot_general3A_23 = arith.constant dense<0.000000e+00> : vector<512x128xf32>
    %dot_general3A_24 = tpu.matmul %max3A_19, %get3A_22, %dot_general3A_23 {dimension_numbers = #tpu.dot_dimension_numbers<[1], [0], [0], [1], [0, 0, 1, 1], [], []>, transpose_lhs_hint = false} : vector<512x512xf32>, vector<512x128xf32>, vector<512x128xf32> -> vector<512x128xf32>
    %get3A_25 = arith.constant 0 : index
    %get3A_26 = arith.constant 0 : index
    %get3A_27 = vector.load %arg6[%get3A_25, %get3A_26] : memref<1x128xf32, #tpu.memory_space<vmem>>, vector<1x128xf32>
    %add3A_28 = vector.broadcast %get3A_27 : vector<1x128xf32> to vector<512x128xf32>
    %add3A_29 = arith.addf %dot_general3A_24, %add3A_28 : vector<512x128xf32>
    %argmax3A = tpu.reduce_index %add3A_29 {axis = 1 : i32, kind = #tpu.reduction_kind<arg_max>} : vector<512x128xf32> -> vector<512xi32>
    %broadcast_in_dim3A = vector.shape_cast %argmax3A : vector<512xi32> to vector<512x1xi32>
    %swap3A_30 = arith.constant 0 : index
    %swap3A_31 = arith.constant 0 : index
    %swap3A_32 = vector.load %arg7[%swap3A_30, %swap3A_31] : memref<512x1xi32, #tpu.memory_space<vmem>>, vector<512x1xi32>
    tpu.vector_store %arg7[%swap3A_30, %swap3A_31], %broadcast_in_dim3A {strides = array<i32>} : memref<512x1xi32, #tpu.memory_space<vmem>>, vector<512x1xi32>,
    %iota3A = tpu.iota {dimensions = array<i32: 1>} : vector<512x128xi32>
    %eq3A = vector.broadcast %broadcast_in_dim3A : vector<512x1xi32> to vector<512x128xi32>
    %eq3A_33 = arith.cmpi eq, %iota3A, %eq3A : vector<512x128xi32>
    %convert_element_type3A = arith.extui %eq3A_33 : vector<512x128xi1> to vector<512x128xi32>
    %convert_element_type3A_34 = arith.sitofp %convert_element_type3A : vector<512x128xi32> to vector<512x128xf32>
    %reduce_sum3A = arith.constant dense<0.000000e+00> : vector<128xf32>
    %reduce_sum3A_35 = vector.multi_reduction <add>, %convert_element_type3A_34, %reduce_sum3A [0] : vector<512x128xf32> to vector<128xf32>
    %broadcast_in_dim3A_36 = vector.shape_cast %reduce_sum3A_35 : vector<128xf32> to vector<1x128xf32>
    %dot_general3A_37 = arith.constant dense<0.000000e+00> : vector<128x1024xf32>
    %dot_general3A_38 = tpu.matmul %convert_element_type3A_34, %get3A_1, %dot_general3A_37 {dimension_numbers = #tpu.dot_dimension_numbers<[0], [0], [1], [1], [0, 1, 1, 1], [], []>, transpose_lhs_hint = false} : vector<512x128xf32>, vector<512x1024xf32>, vector<128x1024xf32> -> vector<128x1024xf32>
    %dot_general3A_39 = arith.constant dense<0.000000e+00> : vector<128x1024xf32>
    %dot_general3A_40 = tpu.matmul %convert_element_type3A_34, %get3A_4, %dot_general3A_39 {dimension_numbers = #tpu.dot_dimension_numbers<[0], [0], [1], [1], [0, 1, 1, 1], [], []>, transpose_lhs_hint = false} : vector<512x128xf32>, vector<512x1024xf32>, vector<128x1024xf32> -> vector<128x1024xf32>
    %eq3A_41 = arith.constant 0 : i32
    %eq3A_42 = arith.cmpi eq, %arg0, %eq3A_41 : i32
    %convert_element_type3A_43 = arith.extui %eq3A_42 : i1 to i32
    %cond3A = arith.constant 0 : i32
    %cond3A_44 = arith.cmpi ne, %convert_element_type3A_43, %cond3A : i32
    scf.if %cond3A_44 {
      %broadcast_in_dim3A_66 = arith.constant 0.000000e+00 : f32
      %broadcast_in_dim3A_67 = vector.broadcast %broadcast_in_dim3A_66 : f32 to vector<1x128xf32>
      %swap3A_68 = arith.constant 0 : index
      %swap3A_69 = arith.constant 0 : index
      %swap3A_70 = vector.load %arg8[%swap3A_68, %swap3A_69] : memref<1x128xf32, #tpu.memory_space<vmem>>, vector<1x128xf32>
      tpu.vector_store %arg8[%swap3A_68, %swap3A_69], %broadcast_in_dim3A_67 {strides = array<i32>} : memref<1x128xf32, #tpu.memory_space<vmem>>, vector<1x128xf32>,
      %broadcast_in_dim3A_71 = arith.constant 0.000000e+00 : f32
      %broadcast_in_dim3A_72 = vector.broadcast %broadcast_in_dim3A_71 : f32 to vector<128x1024xf32>
      %swap3A_73 = arith.constant 0 : index
      %swap3A_74 = arith.constant 0 : index
      %swap3A_75 = vector.load %arg9[%swap3A_73, %swap3A_74] : memref<128x1024xf32, #tpu.memory_space<vmem>>, vector<128x1024xf32>
      tpu.vector_store %arg9[%swap3A_73, %swap3A_74], %broadcast_in_dim3A_72 {strides = array<i32>} : memref<128x1024xf32, #tpu.memory_space<vmem>>, vector<128x1024xf32>,
      %broadcast_in_dim3A_76 = arith.constant 0.000000e+00 : f32
      %broadcast_in_dim3A_77 = vector.broadcast %broadcast_in_dim3A_76 : f32 to vector<128x1024xf32>
      %swap3A_78 = arith.constant 0 : index
      %swap3A_79 = arith.constant 0 : index
      %swap3A_80 = vector.load %arg10[%swap3A_78, %swap3A_79] : memref<128x1024xf32, #tpu.memory_space<vmem>>, vector<128x1024xf32>
      tpu.vector_store %arg10[%swap3A_78, %swap3A_79], %broadcast_in_dim3A_77 {strides = array<i32>} : memref<128x1024xf32, #tpu.memory_space<vmem>>, vector<128x1024xf32>,
    } else {
    }
    %get3A_45 = arith.constant 0 : index
    %get3A_46 = arith.constant 0 : index
    %get3A_47 = vector.load %arg8[%get3A_45, %get3A_46] : memref<1x128xf32, #tpu.memory_space<vmem>>, vector<1x128xf32>
    %add3A_48 = arith.addf %get3A_47, %broadcast_in_dim3A_36 : vector<1x128xf32>
    %swap3A_49 = arith.constant 0 : index
    %swap3A_50 = arith.constant 0 : index
    %swap3A_51 = vector.load %arg8[%swap3A_49, %swap3A_50] : memref<1x128xf32, #tpu.memory_space<vmem>>, vector<1x128xf32>
    tpu.vector_store %arg8[%swap3A_49, %swap3A_50], %add3A_48 {strides = array<i32>} : memref<1x128xf32, #tpu.memory_space<vmem>>, vector<1x128xf32>,
    %get3A_52 = arith.constant 0 : index
    %get3A_53 = arith.constant 0 : index
    %get3A_54 = vector.load %arg9[%get3A_52, %get3A_53] : memref<128x1024xf32, #tpu.memory_space<vmem>>, vector<128x1024xf32>
    %add3A_55 = arith.addf %get3A_54, %dot_general3A_38 : vector<128x1024xf32>
    %swap3A_56 = arith.constant 0 : index
    %swap3A_57 = arith.constant 0 : index
    %swap3A_58 = vector.load %arg9[%swap3A_56, %swap3A_57] : memref<128x1024xf32, #tpu.memory_space<vmem>>, vector<128x1024xf32>
    tpu.vector_store %arg9[%swap3A_56, %swap3A_57], %add3A_55 {strides = array<i32>} : memref<128x1024xf32, #tpu.memory_space<vmem>>, vector<128x1024xf32>,
    %get3A_59 = arith.constant 0 : index
    %get3A_60 = arith.constant 0 : index
    %get3A_61 = vector.load %arg10[%get3A_59, %get3A_60] : memref<128x1024xf32, #tpu.memory_space<vmem>>, vector<128x1024xf32>
    %add3A_62 = arith.addf %get3A_61, %dot_general3A_40 : vector<128x1024xf32>
    %swap3A_63 = arith.constant 0 : index
    %swap3A_64 = arith.constant 0 : index
    %swap3A_65 = vector.load %arg10[%swap3A_63, %swap3A_64] : memref<128x1024xf32, #tpu.memory_space<vmem>>, vector<128x1024xf32>
    tpu.vector_store %arg10[%swap3A_63, %swap3A_64], %add3A_62 {strides = array<i32>} : memref<128x1024xf32, #tpu.memory_space<vmem>>, vector<128x1024xf32>,
    return
  }
  func.func @transform_0(%arg0: i32) -> (i32, i32) {
    %c0_i32 = arith.constant 0 : i32
    %c0_i32_0 = arith.constant 0 : i32
    return %arg0, %c0_i32 : i32, i32
  }
  func.func @transform_1(%arg0: i32) -> (i32, i32) {
    %c0_i32 = arith.constant 0 : i32
    %c0_i32_0 = arith.constant 0 : i32
    return %arg0, %c0_i32 : i32, i32
  }
  func.func @transform_2(%arg0: i32) -> (i32, i32) {
    %c0_i32 = arith.constant 0 : i32
    %c0_i32_0 = arith.constant 0 : i32
    %c0_i32_1 = arith.constant 0 : i32
    return %c0_i32, %c0_i32_0 : i32, i32
  }
  func.func @transform_3(%arg0: i32) -> (i32, i32) {
    %c0_i32 = arith.constant 0 : i32
    %c0_i32_0 = arith.constant 0 : i32
    %c0_i32_1 = arith.constant 0 : i32
    return %c0_i32, %c0_i32_0 : i32, i32
  }
  func.func @transform_4(%arg0: i32) -> (i32, i32) {
    %c0_i32 = arith.constant 0 : i32
    %c0_i32_0 = arith.constant 0 : i32
    %c0_i32_1 = arith.constant 0 : i32
    return %c0_i32, %c0_i32_0 : i32, i32
  }
  func.func @transform_5(%arg0: i32) -> (i32, i32) {
    %c0_i32 = arith.constant 0 : i32
    %c0_i32_0 = arith.constant 0 : i32
    %c0_i32_1 = arith.constant 0 : i32
    return %c0_i32, %c0_i32_0 : i32, i32
  }
  func.func @transform_6(%arg0: i32) -> (i32, i32) {
    %c0_i32 = arith.constant 0 : i32
    %c0_i32_0 = arith.constant 0 : i32
    return %arg0, %c0_i32 : i32, i32
  }
  func.func @transform_7(%arg0: i32) -> (i32, i32) {
    %c0_i32 = arith.constant 0 : i32
    %c0_i32_0 = arith.constant 0 : i32
    %c0_i32_1 = arith.constant 0 : i32
    return %c0_i32, %c0_i32_0 : i32, i32
  }
  func.func @transform_8(%arg0: i32) -> (i32, i32) {
    %c0_i32 = arith.constant 0 : i32
    %c0_i32_0 = arith.constant 0 : i32
    %c0_i32_1 = arith.constant 0 : i32
    return %c0_i32, %c0_i32_0 : i32, i32
  }
  func.func @transform_9(%arg0: i32) -> (i32, i32) {
    %c0_i32 = arith.constant 0 : i32
    %c0_i32_0 = arith.constant 0 : i32
    %c0_i32_1 = arith.constant 0 : i32
    return %c0_i32, %c0_i32_0 : i32, i32
  }
  func.func @transform_10(%arg0: i32) -> (i32, i32) {
    %c0_i32 = arith.constant 0 : i32
    %c0_i32_0 = arith.constant 0 : i32
    return %arg0, %c0_i32 : i32, i32
  }
  func.func @transform_11(%arg0: i32) -> (i32, i32) {
    %c0_i32 = arith.constant 0 : i32
    %c0_i32_0 = arith.constant 0 : i32
    return %arg0, %c0_i32 : i32, i32
  }
}

module attributes {stable_mosaic.version = 14 : i64} {
  func.func @_finalize_kernel(%arg0: memref<64x64xf32, #tpu.memory_space<vmem>>, %arg1: memref<64x1024xf32, #tpu.memory_space<vmem>>, %arg2: memref<64x1024xf32, #tpu.memory_space<vmem>>, %arg3: memref<1024x1024xf32, #tpu.memory_space<vmem>>, %arg4: memref<1x1024xf32, #tpu.memory_space<vmem>>, %arg5: memref<1024x1024xf32, #tpu.memory_space<vmem>>, %arg6: memref<1x1024xf32, #tpu.memory_space<vmem>>, %arg7: memref<64x1024xf32, #tpu.memory_space<vmem>>) attributes {dimension_semantics = [], scalar_prefetch = 0 : i64, scratch_operands = 0 : i64, tpu.core_type = #tpu.core_type<tc>} {
    %get3A = arith.constant 0 : index
    %get3A_0 = arith.constant 0 : index
    %get3A_1 = vector.load %arg0[%get3A, %get3A_0] : memref<64x64xf32, #tpu.memory_space<vmem>>, vector<64x64xf32>
    %get3A_2 = arith.constant 0 : index
    %get3A_3 = arith.constant 0 : index
    %get3A_4 = vector.load %arg1[%get3A_2, %get3A_3] : memref<64x1024xf32, #tpu.memory_space<vmem>>, vector<64x1024xf32>
    %dot_general3A = arith.constant dense<0.000000e+00> : vector<64x1024xf32>
    %dot_general3A_5 = tpu.matmul %get3A_1, %get3A_4, %dot_general3A {dimension_numbers = #tpu.dot_dimension_numbers<[1], [0], [0], [1], [0, 0, 1, 1], [], []>, transpose_lhs_hint = false} : vector<64x64xf32>, vector<64x1024xf32>, vector<64x1024xf32> -> vector<64x1024xf32>
    %get3A_6 = arith.constant 0 : index
    %get3A_7 = arith.constant 0 : index
    %get3A_8 = vector.load %arg2[%get3A_6, %get3A_7] : memref<64x1024xf32, #tpu.memory_space<vmem>>, vector<64x1024xf32>
    %add3A = arith.addf %dot_general3A_5, %get3A_8 : vector<64x1024xf32>
    %get3A_9 = arith.constant 0 : index
    %get3A_10 = arith.constant 0 : index
    %get3A_11 = vector.load %arg3[%get3A_9, %get3A_10] : memref<1024x1024xf32, #tpu.memory_space<vmem>>, vector<1024x1024xf32>
    %dot_general3A_12 = arith.constant dense<0.000000e+00> : vector<64x1024xf32>
    %dot_general3A_13 = tpu.matmul %add3A, %get3A_11, %dot_general3A_12 {dimension_numbers = #tpu.dot_dimension_numbers<[1], [0], [0], [1], [0, 0, 1, 1], [], []>, transpose_lhs_hint = false} : vector<64x1024xf32>, vector<1024x1024xf32>, vector<64x1024xf32> -> vector<64x1024xf32>
    %get3A_14 = arith.constant 0 : index
    %get3A_15 = arith.constant 0 : index
    %get3A_16 = vector.load %arg4[%get3A_14, %get3A_15] : memref<1x1024xf32, #tpu.memory_space<vmem>>, vector<1x1024xf32>
    %add3A_17 = vector.broadcast %get3A_16 : vector<1x1024xf32> to vector<64x1024xf32>
    %add3A_18 = arith.addf %dot_general3A_13, %add3A_17 : vector<64x1024xf32>
    %max3A = arith.constant 0.000000e+00 : f32
    %max3A_19 = vector.broadcast %max3A : f32 to vector<64x1024xf32>
    %max3A_20 = arith.maximumf %add3A_18, %max3A_19 : vector<64x1024xf32>
    %get3A_21 = arith.constant 0 : index
    %get3A_22 = arith.constant 0 : index
    %get3A_23 = vector.load %arg5[%get3A_21, %get3A_22] : memref<1024x1024xf32, #tpu.memory_space<vmem>>, vector<1024x1024xf32>
    %dot_general3A_24 = arith.constant dense<0.000000e+00> : vector<64x1024xf32>
    %dot_general3A_25 = tpu.matmul %max3A_20, %get3A_23, %dot_general3A_24 {dimension_numbers = #tpu.dot_dimension_numbers<[1], [0], [0], [1], [0, 0, 1, 1], [], []>, transpose_lhs_hint = false} : vector<64x1024xf32>, vector<1024x1024xf32>, vector<64x1024xf32> -> vector<64x1024xf32>
    %get3A_26 = arith.constant 0 : index
    %get3A_27 = arith.constant 0 : index
    %get3A_28 = vector.load %arg6[%get3A_26, %get3A_27] : memref<1x1024xf32, #tpu.memory_space<vmem>>, vector<1x1024xf32>
    %add3A_29 = vector.broadcast %get3A_28 : vector<1x1024xf32> to vector<64x1024xf32>
    %add3A_30 = arith.addf %dot_general3A_25, %add3A_29 : vector<64x1024xf32>
    %swap3A = arith.constant 0 : index
    %swap3A_31 = arith.constant 0 : index
    %swap3A_32 = vector.load %arg7[%swap3A, %swap3A_31] : memref<64x1024xf32, #tpu.memory_space<vmem>>, vector<64x1024xf32>
    tpu.vector_store %arg7[%swap3A, %swap3A_31], %add3A_30 {strides = array<i32>} : memref<64x1024xf32, #tpu.memory_space<vmem>>, vector<64x1024xf32>,
    return
  }
}

module attributes {stable_mosaic.version = 14 : i64} {
  func.func @_blend_kernel(%arg0: i32, %arg1: memref<512x1024xf32, #tpu.memory_space<vmem>>, %arg2: memref<512x1024xf32, #tpu.memory_space<vmem>>, %arg3: memref<512x1xf32, #tpu.memory_space<vmem>>, %arg4: memref<512x1xi32, #tpu.memory_space<vmem>>, %arg5: memref<64x1024xf32, #tpu.memory_space<vmem>>, %arg6: memref<512x1024xf32, #tpu.memory_space<vmem>>, %arg7: memref<512x1024xf32, #tpu.memory_space<vmem>>) attributes {dimension_semantics = [#tpu.dimension_semantics<arbitrary>], iteration_bounds = array<i64: 32>, scalar_prefetch = 0 : i64, scratch_operands = 0 : i64, tpu.core_type = #tpu.core_type<tc>, window_params = [{transform_indices = @transform_0, window_bounds = array<i64: 512, 1024>}, {transform_indices = @transform_1, window_bounds = array<i64: 512, 1024>}, {transform_indices = @transform_2, window_bounds = array<i64: 512, 1>}, {transform_indices = @transform_3, window_bounds = array<i64: 512, 1>}, {pipeline_mode = #tpu.pipeline_mode<synchronous>, transform_indices = @transform_4, window_bounds = array<i64: 64, 1024>}, {transform_indices = @transform_5, window_bounds = array<i64: 512, 1024>}, {transform_indices = @transform_6, window_bounds = array<i64: 512, 1024>}]} {
    %get3A = arith.constant 0 : index
    %get3A_0 = arith.constant 0 : index
    %get3A_1 = vector.load %arg4[%get3A, %get3A_0] : memref<512x1xi32, #tpu.memory_space<vmem>>, vector<512x1xi32>
    %iota3A = tpu.iota {dimensions = array<i32: 1>} : vector<512x64xi32>
    %eq3A = vector.broadcast %get3A_1 : vector<512x1xi32> to vector<512x64xi32>
    %eq3A_2 = arith.cmpi eq, %iota3A, %eq3A : vector<512x64xi32>
    %convert_element_type3A = arith.extui %eq3A_2 : vector<512x64xi1> to vector<512x64xi32>
    %convert_element_type3A_3 = arith.sitofp %convert_element_type3A : vector<512x64xi32> to vector<512x64xf32>
    %add3A = arith.constant 32 : i32
    %add3A_4 = vector.broadcast %add3A : i32 to vector<512x1xi32>
    %add3A_5 = arith.addi %get3A_1, %add3A_4 : vector<512x1xi32>
    %eq3A_6 = vector.broadcast %add3A_5 : vector<512x1xi32> to vector<512x64xi32>
    %eq3A_7 = arith.cmpi eq, %iota3A, %eq3A_6 : vector<512x64xi32>
    %convert_element_type3A_8 = arith.extui %eq3A_7 : vector<512x64xi1> to vector<512x64xi32>
    %convert_element_type3A_9 = arith.sitofp %convert_element_type3A_8 : vector<512x64xi32> to vector<512x64xf32>
    %get3A_10 = arith.constant 0 : index
    %get3A_11 = arith.constant 0 : index
    %get3A_12 = vector.load %arg5[%get3A_10, %get3A_11] : memref<64x1024xf32, #tpu.memory_space<vmem>>, vector<64x1024xf32>
    %dot_general3A = arith.constant dense<0.000000e+00> : vector<512x1024xf32>
    %dot_general3A_13 = tpu.matmul %convert_element_type3A_3, %get3A_12, %dot_general3A {dimension_numbers = #tpu.dot_dimension_numbers<[1], [0], [0], [1], [0, 0, 1, 1], [], []>, transpose_lhs_hint = false} : vector<512x64xf32>, vector<64x1024xf32>, vector<512x1024xf32> -> vector<512x1024xf32>
    %dot_general3A_14 = arith.constant dense<0.000000e+00> : vector<512x1024xf32>
    %dot_general3A_15 = tpu.matmul %convert_element_type3A_9, %get3A_12, %dot_general3A_14 {dimension_numbers = #tpu.dot_dimension_numbers<[1], [0], [0], [1], [0, 0, 1, 1], [], []>, transpose_lhs_hint = false} : vector<512x64xf32>, vector<64x1024xf32>, vector<512x1024xf32> -> vector<512x1024xf32>
    %get3A_16 = arith.constant 0 : index
    %get3A_17 = arith.constant 0 : index
    %get3A_18 = vector.load %arg3[%get3A_16, %get3A_17] : memref<512x1xf32, #tpu.memory_space<vmem>>, vector<512x1xf32>
    %gt3A = arith.constant 1.000000e-01 : f32
    %gt3A_19 = vector.broadcast %gt3A : f32 to vector<512x1xf32>
    %gt3A_20 = arith.cmpf ogt, %get3A_18, %gt3A_19 : vector<512x1xf32>
    %get3A_21 = arith.constant 0 : index
    %get3A_22 = arith.constant 0 : index
    %get3A_23 = vector.load %arg1[%get3A_21, %get3A_22] : memref<512x1024xf32, #tpu.memory_space<vmem>>, vector<512x1024xf32>
    %broadcast_in_dim3A = vector.shape_cast %gt3A_20 : vector<512x1xi1> to vector<512x1xi1>
    %broadcast_in_dim3A_24 = vector.broadcast %broadcast_in_dim3A : vector<512x1xi1> to vector<512x1024xi1>
    %select_n3A = arith.select %broadcast_in_dim3A_24, %get3A_23, %dot_general3A_13 : vector<512x1024xi1>, vector<512x1024xf32>
    %swap3A = arith.constant 0 : index
    %swap3A_25 = arith.constant 0 : index
    %swap3A_26 = vector.load %arg6[%swap3A, %swap3A_25] : memref<512x1024xf32, #tpu.memory_space<vmem>>, vector<512x1024xf32>
    tpu.vector_store %arg6[%swap3A, %swap3A_25], %select_n3A {strides = array<i32>} : memref<512x1024xf32, #tpu.memory_space<vmem>>, vector<512x1024xf32>,
    %get3A_27 = arith.constant 0 : index
    %get3A_28 = arith.constant 0 : index
    %get3A_29 = vector.load %arg2[%get3A_27, %get3A_28] : memref<512x1024xf32, #tpu.memory_space<vmem>>, vector<512x1024xf32>
    %broadcast_in_dim3A_30 = vector.shape_cast %gt3A_20 : vector<512x1xi1> to vector<512x1xi1>
    %broadcast_in_dim3A_31 = vector.broadcast %broadcast_in_dim3A_30 : vector<512x1xi1> to vector<512x1024xi1>
    %select_n3A_32 = arith.select %broadcast_in_dim3A_31, %get3A_29, %dot_general3A_15 : vector<512x1024xi1>, vector<512x1024xf32>
    %swap3A_33 = arith.constant 0 : index
    %swap3A_34 = arith.constant 0 : index
    %swap3A_35 = vector.load %arg7[%swap3A_33, %swap3A_34] : memref<512x1024xf32, #tpu.memory_space<vmem>>, vector<512x1024xf32>
    tpu.vector_store %arg7[%swap3A_33, %swap3A_34], %select_n3A_32 {strides = array<i32>} : memref<512x1024xf32, #tpu.memory_space<vmem>>, vector<512x1024xf32>,
    return
  }
  func.func @transform_0(%arg0: i32) -> (i32, i32) {
    %c0_i32 = arith.constant 0 : i32
    %c0_i32_0 = arith.constant 0 : i32
    return %arg0, %c0_i32 : i32, i32
  }
  func.func @transform_1(%arg0: i32) -> (i32, i32) {
    %c0_i32 = arith.constant 0 : i32
    %c0_i32_0 = arith.constant 0 : i32
    return %arg0, %c0_i32 : i32, i32
  }
  func.func @transform_2(%arg0: i32) -> (i32, i32) {
    %c0_i32 = arith.constant 0 : i32
    %c0_i32_0 = arith.constant 0 : i32
    return %arg0, %c0_i32 : i32, i32
  }
  func.func @transform_3(%arg0: i32) -> (i32, i32) {
    %c0_i32 = arith.constant 0 : i32
    %c0_i32_0 = arith.constant 0 : i32
    return %arg0, %c0_i32 : i32, i32
  }
  func.func @transform_4(%arg0: i32) -> (i32, i32) {
    %c0_i32 = arith.constant 0 : i32
    %c0_i32_0 = arith.constant 0 : i32
    %c0_i32_1 = arith.constant 0 : i32
    return %c0_i32, %c0_i32_0 : i32, i32
  }
  func.func @transform_5(%arg0: i32) -> (i32, i32) {
    %c0_i32 = arith.constant 0 : i32
    %c0_i32_0 = arith.constant 0 : i32
    return %arg0, %c0_i32 : i32, i32
  }
  func.func @transform_6(%arg0: i32) -> (i32, i32) {
    %c0_i32 = arith.constant 0 : i32
    %c0_i32_0 = arith.constant 0 : i32
    return %arg0, %c0_i32 : i32, i32
  }
}

</mosaic_0001>

<sc_bundles>
// kernel: kernel.5.cloned.1.call-start
scs
__scs_entry_jumppad:
0x0: {  	(pc) =	sbr.rel $0x88, $3  }
0x1: {  	(tag) =	ssettag $0x0;
	lr =	simm.s32 $0x1  }
0x2: {  	[smem:$0x3F96] =	sst lr;
	_ =	strace $0xD0000000  }
0x3: {  	_ = 	snop  }
0x4: {  	_ = 	snop  }
0x5: {  	_ = 	snop  }
0x6: {  	_ = 	snop  }
0x7: {  	_ = 	snop  }
__scs_overlays_trampoline_lowered:
0x8: {  	[smem:$0x3FA5] =	sst s0  }
0x9: {  	[smem:$0x3FA6] =	sst s1  }
0xa: {  	[smem:$0x3FA7] =	sst s2  }
0xb: {  	[smem:$0x3FA8] =	sst s3  }
0xc: {  	[smem:$0x3FA9] =	sst s4  }
0xd: {  	[smem:$0x3FAA] =	sst s5  }
0xe: {  	[smem:$0x3FAB] =	sst s6  }
0xf: {  	[smem:$0x3FAC] =	sst s7  }
0x10: {  	[smem:$0x3FAD] =	sst s8  }
0x11: {  	[smem:$0x3FAE] =	sst s9;
	s0 =	simm.s32 @!p0 $0x0  }
0x12: {  	s1 =	sld [smem:$0x3F94];
	s0 =	simm.s32 @p0 $0x1  }
0x13: {  	[smem:$0x3FAF] =	sst s0;
	s0 =	simm.s32 @!p1 $0x0  }
0x14: {  	s2 =	sld [smem:$0x3F93];
	s0 =	simm.s32 @p1 $0x1  }
0x15: {  	[smem:$0x3FB0] =	sst s0;
	s0 =	simm.s32 @!p2 $0x0  }
0x16: {  	s3 =	sld [smem:$0x3FDB];
	s0 =	simm.s32 @p2 $0x1  }
0x17: {  	s4 =	simm.s32 $0x1BF5;
	[smem:$0x3FB2] =	sst s0  }
0x18: {  	s0 =	sld [smem:$0x3F95];
	_ =	swait.ge [sflag:s4], $0x0  }
0x19: {  	s7 =	sld [smem:$0x3F96]  }
0x1a: {  	s8 =	sadd.s32 $0xFFFFE003, lr  }
0x1b: {  	s9 =	sadd.s32 $0xFFFFFEF7, lr;
	s5 =	simm.s32 $0xFFFFFFFF;
	p2 =	slt.u32 s8, $0xFFFFF086  }
0x1c: {  	p1 =	slt.u32 s9, $0xF7A;
	s5 =	simm.s32 @!p2 $0x0  }
0x1d: {  	s5 =	simm.s32 @p1 $0x1;
	p0 =	seq.s32 s7, s2  }
0x1e: {  	s7 =	smul.u32 @!p0 $0xF7A, s2;
	p2 =	seq.s32 @!p0 s5, $0x0  }
0x1f: {  	s9 =	smul.u32 $0xF7A, s1;
	s8 =	simm.s32 @!p0 $0x1BF5;
	p2 =	por !p2, p0  }
0x20: {  	[sflag:s8] =	ssyncset.s32 @!p0 $0xFFFFF086;
	s6 =	sadd.s32 @!p0 s3, s7;
	s7 =	simm.s32 @!p0 $0x108  }
0x21: {  	s3 =	sadd.s32 s3, s9;
	s6 =	sadd.s32 @!p0 $0x88, s6;
	s7 =	simm.s32 @p2 $0x1082  }
0x22: {  	[simem:s7], [sflag:s8] =	dma.local @!p0 [hbm:s6], $0xF7A  }
0x23: {  	s9 =	sor.u32 $0xD0000000, s2;
	s6 =	simm.s32 $0x108;
	_ =	swait.ge @!p0 [sflag:s8], $0x0  }
0x24: {  	s3 =	sadd.s32 $0x88, s3;
	s6 =	simm.s32 @!p1 $0x1082;
	[sflag:s4] =	ssyncset.s32 $0xFFFFF086  }
0x25: {  	[simem:s6], [sflag:s4] =	dma.local [hbm:s3], $0xF7A  }
0x26: {  	[smem:$0x3F96] =	sst s1;
	(tag) =	ssettag s2;
	_ =	strace s9  }
0x27: {  	s1 =	sld [smem:$0x3FA6]  }
0x28: {  	s2 =	sld [smem:$0x3FA7]  }
0x29: {  	s4 =	sld [smem:$0x3FA9]  }
0x2a: {  	p0 =	seq.s32 s5, $0x0;
	s5 =	sld [smem:$0x3FAA]  }
0x2b: {  	s6 =	sld [smem:$0x3FAB]  }
0x2c: {  	s7 =	sld [smem:$0x3FAC]  }
0x2d: {  	s3 =	simm.s32 $0x108;
	s8 =	sld [smem:$0x3FAD]  }
0x2e: {  	s3 =	simm.s32 @!p0 $0x1082;
	s9 =	sld [smem:$0x3FAE]  }
0x2f: {  	lr =	sadd.s32 s0, s3;
	s0 =	sld [smem:$0x3FA5]  }
0x30: {  	s3 =	sld [smem:$0x3FA8]  }
0x31: {  	[smem:$0x3FB1] =	sst s10  }
0x32: {  	s10 =	sld [smem:$0x3FAF];
	_ =	sdelay $0x3  }
0x33: {  	p0 =	seq.s32 s10, $0x1;
	s10 =	sld [smem:$0x3FB1];
	_ =	sdelay $0x3  }
0x34: {  	[smem:$0x3FB1] =	sst s10  }
0x35: {  	s10 =	sld [smem:$0x3FB0];
	_ =	sdelay $0x3  }
0x36: {  	p1 =	seq.s32 s10, $0x1;
	s10 =	sld [smem:$0x3FB1];
	_ =	sdelay $0x3  }
0x37: {  	[smem:$0x3FB1] =	sst s10  }
0x38: {  	s10 =	sld [smem:$0x3FB2]  }
0x39: {  	_ = 	snop;
	(pc) =	sbr.ind lr, $3  }
0x3a: {  	_ = 	snop  }
0x3b: {  	_ = 	snop  }
0x3c: {  	p2 =	seq.s32 s10, $0x1;
	s10 =	sld [smem:$0x3FB1]  }
0x3d: {  	_ =	shalt  }
0x3e: {  	_ =	shalt  }
0x3f: {  	_ =	shalt  }
0x40: {  	_ =	shalt  }
0x41: {  	_ =	shalt  }
0x42: {  	_ =	shalt  }
0x43: {  	_ =	shalt  }
0x44: {  	_ =	shalt  }
0x45: {  	_ =	shalt  }
0x46: {  	_ =	shalt  }
0x47: {  	_ =	shalt  }
0x48: {  	_ =	shalt  }
0x49: {  	_ =	shalt  }
0x4a: {  	_ =	shalt  }
0x4b: {  	_ =	shalt  }
0x4c: {  	_ =	shalt  }
0x4d: {  	_ =	shalt  }
0x4e: {  	_ =	shalt  }
0x4f: {  	_ =	shalt  }
0x50: {  	_ =	shalt  }
0x51: {  	_ =	shalt  }
0x52: {  	_ =	shalt  }
0x53: {  	_ =	shalt  }
0x54: {  	_ =	shalt  }
0x55: {  	_ =	shalt  }
0x56: {  	_ =	shalt  }
0x57: {  	_ =	shalt  }
0x58: {  	_ =	shalt  }
0x59: {  	_ =	shalt  }
0x5a: {  	_ =	shalt  }
0x5b: {  	_ =	shalt  }
0x5c: {  	_ =	shalt  }
0x5d: {  	_ =	shalt  }
0x5e: {  	_ =	shalt  }
0x5f: {  	_ =	shalt  }
0x60: {  	_ =	shalt  }
0x61: {  	_ =	shalt  }
0x62: {  	_ =	shalt  }
0x63: {  	_ =	shalt  }
0x64: {  	_ =	shalt  }
0x65: {  	_ =	shalt  }
0x66: {  	_ =	shalt  }
0x67: {  	_ =	shalt  }
0x68: {  	_ =	shalt  }
0x69: {  	_ =	shalt  }
0x6a: {  	_ =	shalt  }
0x6b: {  	_ =	shalt  }
0x6c: {  	_ =	shalt  }
0x6d: {  	_ =	shalt  }
0x6e: {  	_ =	shalt  }
0x6f: {  	_ =	shalt  }
0x70: {  	_ =	shalt  }
0x71: {  	_ =	shalt  }
0x72: {  	_ =	shalt  }
0x73: {  	_ =	shalt  }
0x74: {  	_ =	shalt  }
0x75: {  	_ =	shalt  }
0x76: {  	_ =	shalt  }
0x77: {  	_ =	shalt  }
0x78: {  	_ =	shalt  }
0x79: {  	_ =	shalt  }
0x7a: {  	_ =	shalt  }
0x7b: {  	_ =	shalt  }
0x7c: {  	_ =	shalt  }
0x7d: {  	_ =	shalt  }
0x7e: {  	_ =	shalt  }
0x7f: {  	_ =	shalt  }
0x80: {  	_ =	shalt  }
0x81: {  	_ =	shalt  }
0x82: {  	_ =	shalt  }
0x83: {  	_ =	shalt  }
0x84: {  	_ =	shalt  }
0x85: {  	_ =	shalt  }
0x86: {  	_ =	shalt  }
0x87: {  	_ =	shalt  }
.Lfunc_end0:
.L_simem_size_0:
called_computation_lowered:
.L_overlay_start_0:
0x88: {  	s2 =	sld [smem:$0x3FD9]  }
0x89: {  	s3 =	sld [smem:$0x3FFE];
	_ =	sdelay $0x1  }
0x8a: {  	s1 =	srdreg.scid  }
0x8b: {  	s0 =	sand.u32 $0x1, s1  }
0x8c: {  	s14 =	sshll.u32 s0, $0xA;
	s2 =	sadd.s32 s3, s2  }
0x8d: {  	s2 =	sadd.s32 s2, s14  }
0x8e: {  	[smem:$0x3FBD] =	sst s2  }
0x8f: {  	_ = 	snop  }
0x90: {  	s2 =	sld [smem:$0x3FD0];
	_ =	sdelay $0x2  }
0x91: {  	s15 =	simm.s32 $0xA;
	s4 =	simm.s32 $0x10  }
0x92: {  	[smem:s4], [sflag:s15] =	dma.local [hbm:s2], $0x1  }
0x93: {  	_ =	swait.eq [sflag:s15], $0x1  }
0x94: {  	[sflag:s15] =	ssyncset.done $0x0  }
0x95: {  	s16 =	sld [smem:$0x10];
	[sflag:s15] =	ssyncadd.s32 $0xFFFFFFFF  }
0x96: {  	s17 =	sld [smem:$0x11];
	(tm) =	ssettm $0x1  }
0x97: {  	s18 =	sld [smem:$0x3FFB];
	_ =	sdelay $0x3  }
0x98: {  	_ =	strace s18  }
0x99: {  	s4 =	sld [smem:$0x3FFC];
	_ =	sdelay $0x3  }
0x9a: {  	_ =	strace s4  }
0x9b: {  	s4 =	sld [smem:$0x3FFD];
	_ =	sdelay $0x3  }
0x9c: {  	_ =	strace s4  }
0x9d: {  	_ =	strace $0x8FFFFFFF  }
0x9e: {  	s19 =	sld [smem:$0x3FDB];
	_ =	sdelay $0x1  }
0x9f: {  	s5 =	simm.s32 $_scs_section_size  }
0xa0: {  	s6 =	simm.s32 $_size__tile_overlayer_lowered;
	s7 =	simm.s32 $_tile_overlayer_lowered  }
0xa1: {  	s22 =	simm.s32 $0x1BFF;
	s21 =	sshll.u32 s7, $0x1;
	s4 =	sadd.s32 s5, s19  }
0xa2: {  	s8 =	simm.s32 $0x0;
	s20 =	sshll.u32 s6, $0x1;
	s6 =	sadd.s32 s21, s4  }
0xa3: {  	[timem:s8], [sflag:s22] =	dma.local [hbm:s6], s20  }
0xa4: {  	_ =	swait.ge [sflag:s22], s20  }
0xa5: {  	s5 =	ssub.s32 $0x0, s20;
	[sflag:s22] =	ssyncset.done $0x0  }
0xa6: {  	[sflag:s22] =	ssyncadd.s32 s5;
	_ =	sdelay $0x1  }
0xa7: {  	s23 =	simm.s32 $0x1B8B  }
0xa8: {  	_ =	swait.ge [sflag:s23], $0x1  }
0xa9: {  	[sflag:s23] =	ssyncset.done $0x0  }
0xaa: {  	s25 =	simm.s32 $0x1B8E;
	s24 =	sld [smem:$0x3FFE];
	[sflag:s23] =	ssyncadd.s32 $0xFFFFFFFF  }
0xab: {  	s26 =	simm.s32 $execute0_lowered;
	[smem:$0x3FD2] =	sst s25  }
0xac: {  	s6 =	sshll.u32 s26, $0x1;
	_ =	strace $0x80000046;
	[dreg:$0x1] =	wrdreg $0xFFFFFFFF  }
0xad: {  	s28 =	simm.s32 $_size_execute0_lowered;
	s4 =	sadd.s32 s4, s6;
	[dreg:$0x0] =	wrdreg $0x0  }
0xae: {  	s6 =	sshll.u32 s28, $0x1;
	[dreg:$0x2] =	wrdreg s4  }
0xaf: {  	[dreg:$0x3] =	wrdreg s6  }
0xb0: {  	[dreg:$0x4] =	wrdreg $0xC0  }
0xb1: {  	_ =	task [dreg:s8], $0x5FFFF  }
0xb2: {  	[dreg:$0x1] =	wrdreg $0xFFFFFFFF  }
0xb3: {  	[dreg:$0x0] =	wrdreg $0x60  }
0xb4: {  	[dreg:$0x2] =	wrdreg s24  }
0xb5: {  	[dreg:$0x3] =	wrdreg s16  }
0xb6: {  	[dreg:$0x4] =	wrdreg s17  }
0xb7: {  	[dreg:$0x5] =	wrdreg $0x9  }
0xb8: {  	_ =	task.clear_ibuf [dreg:s8], $0x6FFFF;
	_ =	strace $0x90000046  }
0xb9: {  	s29 =	simm.s32 $0x9;
	_ =	strace $0x80000048  }
0xba: {  	_ =	swait.ge [sflag:s29], $0x1  }
0xbb: {  	[sflag:s29] =	ssyncadd.s32 $0xFFFFFFFF  }
0xbc: {  	_ =	strace $0x90000048  }
0xbd: {  	_ =	sfence  }
0xbe: {  	s30 =	sld [smem:$0x0];
	_ =	sdelay $0x2  }
0xbf: {  	s31 =	sshll.u32 s1, $0xD;
	s1 =	sshrl.u32 s1, $0x2  }
0xc0: {  	s3 =	sand.u32 $0x4000, s31;
	s1 =	sadd.s32 s1, s30  }
0xc1: {  	s0 =	sor.u32 s3, s0;
	s1 =	sshll.u32 s1, $0x11  }
0xc2: {  	s0 =	sor.u32 s1, s0  }
0xc3: {  	s0 =	sadd.s32 $0x8F2B, s0  }
0xc4: {  	[sflag:s0] =	ssyncadd.remote.s32 $0x1  }
0xc5: {  	_ =	sfence.sel $0xFFFF  }
0xc6: {  	[dreg:$0x0] =	wrdreg $0xFFFFFFFF;
	(pc) =	sbr.abs _section_cstart, $3  }
0xc7: {  	[dreg:$0x1] =	wrdreg $0xFFFFFFFF  }
0xc8: {  	_ =	task.clear_ibuf [dreg:s8], $0x2FFFF;
	_ =	strace $0x9FFFFFFF  }
0xc9: {  	(tm) =	ssettm $0x7FFFFFFF  }
tec
execute0_lowered:
.L_overlay_start_1:
0x0: {  	(tag) =	ssettag $0x1  }
0x1: {  	s0 =	rddreg [dreg:$0x0]  }
0x2: {  	s2 =	rddreg [dreg:$0x1]  }
0x3: {  	s3 =	rddreg [dreg:$0x2];
	s1 =	srdreg.scid  }
0x4: {  	s5 =	stileid.u32;
	s4 =	simm.s32 $0x0;
	s30 =	simm.s32 $0x80  }
0x5: {  	s31 =	simm.s32 $0x100;
	s18 =	simm.s32 $0x1;
	s1 =	sand.u32 $0x1, s1  }
0x6: {  	s5 =	sshll.u32 s5, $0x5;
	[smem:$0x7FF] =	sst s4;
	s9 =	sadd.s32 $0xF00, s0  }
0x7: {  	s10 =	sadd.s32 $0x100, s2;
	s11 =	sadd.s32 $0x200, s2;
	s12 =	sadd.s32 $0x300, s2  }
0x8: {  	s13 =	sadd.s32 $0x100, s3;
	s14 =	sadd.s32 $0x200, s3;
	s15 =	sadd.s32 $0x300, s3  }
0x9: {  	s6 =	sshll.u32 s1, $0x4;
	_ =	strace $0x80000047;
	[dreg:$0x6] =	wrdreg s30  }
0xa: {  	s1 =	ssub.s32 $0x2, s1;
	[dreg:$0x7] =	wrdreg s31;
	s5 =	sor.u32 s6, s5  }
0xb: {  	s6 =	sadd.s32 $0xC00, s0;
	s7 =	sshrl.u32 s1, $0x1;
	s8 =	sadd.s32 s0, s5  }
0xc: {  	v2 =	vlaneseq.u32;
	s1 =	ssub.s32 s1, s7;
	s5 =	sadd.s32 $0xA00, s8;
	[dreg:$0x8] =	wrdreg s8  }
0xd: {  	vm0 =	vmmov $0xffff;
	v1 =	vshrl.u32 v2, $0x3;
	s7 =	sadd.s32 $0xD00, s0;
	s29 =	sadd.s32 $0x800, s8;
	[dreg:$0x4] =	wrdreg s5  }
0xe: {  	v0 =	vand.u32 $0x7, v2;
	v2 =	vor.u32 $0x8, v2;
	v1 =	vmul.u32 $0x8, v1;
	s8 =	sadd.s32 $0xE00, s0;
	s16 =	smax.u32 s1, $0x1;
	[dreg:$0x5] =	wrdreg s29  }
.LBB2_1:
0xf: {  	s19 =	rddreg [dreg:$0x8];
	s0 =	simm.s32 $0x2  }
0x10: {  	[tilespmem:s4], [sflag:$0x2] =	stream.linear.gather [hbm4b:s19+s4], $0x80, $0x38;
	[tilespmem:$0x18180] =	vst v63  }
0x11: {  	_ =	swait.ge [sflag:s0], $0x80  }
0x12: {  	s22 =	rddreg [dreg:$0x4];
	[sflag:s0] =	ssyncset.done $0x0  }
0x13: {  	s20 =	rddreg [dreg:$0x6];
	[sflag:s0] =	ssyncadd.s32 $0xFFFFFF80  }
0x14: {  	[tilespmem:s20], [sflag:$0x2] =	stream.linear.gather [hbm4b:s22+s4], $0x80, $0x38;
	[tilespmem:$0x18180] =	vst v63  }
0x15: {  	_ =	swait.ge [sflag:s0], $0x80  }
0x16: {  	s23 =	rddreg [dreg:$0x5];
	[sflag:s0] =	ssyncset.done $0x0  }
0x17: {  	s24 =	rddreg [dreg:$0x7];
	[sflag:s0] =	ssyncadd.s32 $0xFFFFFF80  }
0x18: {  	[tilespmem:s24], [sflag:$0x2] =	stream.linear.gather [hbm4b:s23+s4], $0x80, $0x38;
	[tilespmem:$0x18180] =	vst v63  }
0x19: {  	_ =	swait.ge [sflag:s0], $0x80  }
0x1a: {  	[sflag:s0] =	ssyncset.done $0x0  }
0x1b: {  	[sflag:s0] =	ssyncadd.s32 $0xFFFFFF80  }
0x1c: {  	v3 =	vld [tilespmem:$0x80];
	_ =	sdelay $0x4  }
0x1d: {  	v4 =	vshll.u32 v3, $0x3  }
0x1e: {  	v3 =	vand.u32 $0x7, v3;
	v4 =	vand.u32 $0xFFFFFFC0, v4  }
0x1f: {  	v3 =	vor.u32 v3, v4  }
0x20: {  	v4 =	vperm.xlane v3, v0;
	_ =	sdelay $0x1  }
0x21: {  	v4 =	vadd.s32 v1, v4;
	_ =	sdelay $0x3  }
0x22: {  	s25 =	simm.s32 $0x180  }
0x23: {  	[tilespmem:s25], [sflag:$0x1] =	stream.indirect_vreg.gather [hbm4b:s6+s4], $0x80, v4, vm0, $0xb8;
	[tilespmem:$0x18180] =	vst v63  }
0x24: {  	s26 =	simm.s32 $0x980;
	v3 =	vperm.xlane v3, v2  }
0x25: {  	[tilespmem:s26], [sflag:$0x1] =	stream.indirect_vreg.gather [hbm4b:s7+s4], $0x80, v4, vm0, $0xb8;
	[tilespmem:$0x18180] =	vst v63  }
0x26: {  	s28 =	simm.s32 $0x1180;
	v3 =	vadd.s32 v1, v3  }
0x27: {  	[tilespmem:s28], [sflag:$0x1] =	stream.indirect_vreg.gather [hbm4b:s8+s4], $0x80, v4, vm0, $0xb8;
	[tilespmem:$0x18180] =	vst v63  }
0x28: {  	s29 =	simm.s32 $0x1980  }
0x29: {  	[tilespmem:s29], [sflag:$0x1] =	stream.indirect_vreg.gather [hbm4b:s9+s4], $0x80, v4, vm0, $0xb8;
	[tilespmem:$0x18180] =	vst v63  }
0x2a: {  	s30 =	simm.s32 $0x2180  }
0x2b: {  	[tilespmem:s30], [sflag:$0x1] =	stream.indirect_vreg.gather [hbm4b:s6+s4], $0x80, v3, vm0, $0xb8;
	[tilespmem:$0x18180] =	vst v63  }
0x2c: {  	s1 =	simm.s32 $0x2980  }
0x2d: {  	[tilespmem:s1], [sflag:$0x1] =	stream.indirect_vreg.gather [hbm4b:s7+s4], $0x80, v3, vm0, $0xb8;
	[tilespmem:$0x18180] =	vst v63  }
0x2e: {  	s5 =	simm.s32 $0x3180  }
0x2f: {  	[tilespmem:s5], [sflag:$0x1] =	stream.indirect_vreg.gather [hbm4b:s8+s4], $0x80, v3, vm0, $0xb8;
	[tilespmem:$0x18180] =	vst v63  }
0x30: {  	s17 =	simm.s32 $0x3980  }
0x31: {  	[tilespmem:s17], [sflag:$0x1] =	stream.indirect_vreg.gather [hbm4b:s9+s4], $0x80, v3, vm0, $0xb8;
	[tilespmem:$0x18180] =	vst v63  }
0x32: {  	v3 =	vld [tilespmem:$0x90];
	_ =	sdelay $0x4  }
0x33: {  	v41 =	vshll.u32 v3, $0x3  }
0x34: {  	v3 =	vand.u32 $0x7, v3;
	v4 =	vand.u32 $0xFFFFFFC0, v41  }
0x35: {  	v3 =	vor.u32 v3, v4  }
0x36: {  	v4 =	vperm.xlane v3, v0;
	_ =	sdelay $0x1  }
0x37: {  	v4 =	vadd.s32 v1, v4;
	_ =	sdelay $0x3  }
0x38: {  	s19 =	simm.s32 $0x4180  }
0x39: {  	[tilespmem:s19], [sflag:$0x1] =	stream.indirect_vreg.gather [hbm4b:s6+s4], $0x80, v4, vm0, $0xb8;
	[tilespmem:$0x18180] =	vst v63  }
0x3a: {  	s20 =	simm.s32 $0x4980;
	v3 =	vperm.xlane v3, v2  }
0x3b: {  	[tilespmem:s20], [sflag:$0x1] =	stream.indirect_vreg.gather [hbm4b:s7+s4], $0x80, v4, vm0, $0xb8;
	[tilespmem:$0x18180] =	vst v63  }
0x3c: {  	s21 =	simm.s32 $0x5180;
	v3 =	vadd.s32 v1, v3  }
0x3d: {  	[tilespmem:s21], [sflag:$0x1] =	stream.indirect_vreg.gather [hbm4b:s8+s4], $0x80, v4, vm0, $0xb8;
	[tilespmem:$0x18180] =	vst v63  }
0x3e: {  	s22 =	simm.s32 $0x5980  }
0x3f: {  	[tilespmem:s22], [sflag:$0x1] =	stream.indirect_vreg.gather [hbm4b:s9+s4], $0x80, v4, vm0, $0xb8;
	[tilespmem:$0x18180] =	vst v63  }
0x40: {  	s23 =	simm.s32 $0x6180  }
0x41: {  	[tilespmem:s23], [sflag:$0x1] =	stream.indirect_vreg.gather [hbm4b:s6+s4], $0x80, v3, vm0, $0xb8;
	[tilespmem:$0x18180] =	vst v63  }
0x42: {  	s24 =	simm.s32 $0x6980  }
0x43: {  	[tilespmem:s24], [sflag:$0x1] =	stream.indirect_vreg.gather [hbm4b:s7+s4], $0x80, v3, vm0, $0xb8;
	[tilespmem:$0x18180] =	vst v63  }
0x44: {  	s25 =	simm.s32 $0x7180  }
0x45: {  	[tilespmem:s25], [sflag:$0x1] =	stream.indirect_vreg.gather [hbm4b:s8+s4], $0x80, v3, vm0, $0xb8;
	[tilespmem:$0x18180] =	vst v63  }
0x46: {  	s29 =	simm.s32 $0x7980  }
0x47: {  	[tilespmem:s29], [sflag:$0x1] =	stream.indirect_vreg.gather [hbm4b:s9+s4], $0x80, v3, vm0, $0xb8;
	[tilespmem:$0x18180] =	vst v63  }
0x48: {  	v3 =	vld [tilespmem:$0xA0];
	_ =	sdelay $0x4  }
0x49: {  	v42 =	vshll.u32 v3, $0x3  }
0x4a: {  	v3 =	vand.u32 $0x7, v3;
	v4 =	vand.u32 $0xFFFFFFC0, v42  }
0x4b: {  	v3 =	vor.u32 v3, v4  }
0x4c: {  	v4 =	vperm.xlane v3, v0;
	_ =	sdelay $0x1  }
0x4d: {  	v4 =	vadd.s32 v1, v4;
	_ =	sdelay $0x3  }
0x4e: {  	s30 =	simm.s32 $0x8180  }
0x4f: {  	[tilespmem:s30], [sflag:$0x1] =	stream.indirect_vreg.gather [hbm4b:s6+s4], $0x80, v4, vm0, $0xb8;
	[tilespmem:$0x18180] =	vst v63  }
0x50: {  	s17 =	simm.s32 $0x8980;
	v3 =	vperm.xlane v3, v2  }
0x51: {  	[tilespmem:s17], [sflag:$0x1] =	stream.indirect_vreg.gather [hbm4b:s7+s4], $0x80, v4, vm0, $0xb8;
	[tilespmem:$0x18180] =	vst v63  }
0x52: {  	s21 =	simm.s32 $0x9180;
	v3 =	vadd.s32 v1, v3  }
0x53: {  	[tilespmem:s21], [sflag:$0x1] =	stream.indirect_vreg.gather [hbm4b:s8+s4], $0x80, v4, vm0, $0xb8;
	[tilespmem:$0x18180] =	vst v63  }
0x54: {  	s22 =	simm.s32 $0x9980  }
0x55: {  	[tilespmem:s22], [sflag:$0x1] =	stream.indirect_vreg.gather [hbm4b:s9+s4], $0x80, v4, vm0, $0xb8;
	[tilespmem:$0x18180] =	vst v63  }
0x56: {  	s24 =	simm.s32 $0xA180  }
0x57: {  	[tilespmem:s24], [sflag:$0x1] =	stream.indirect_vreg.gather [hbm4b:s6+s4], $0x80, v3, vm0, $0xb8;
	[tilespmem:$0x18180] =	vst v63  }
0x58: {  	s25 =	simm.s32 $0xA980  }
0x59: {  	[tilespmem:s25], [sflag:$0x1] =	stream.indirect_vreg.gather [hbm4b:s7+s4], $0x80, v3, vm0, $0xb8;
	[tilespmem:$0x18180] =	vst v63  }
0x5a: {  	s29 =	simm.s32 $0xB180  }
0x5b: {  	[tilespmem:s29], [sflag:$0x1] =	stream.indirect_vreg.gather [hbm4b:s8+s4], $0x80, v3, vm0, $0xb8;
	[tilespmem:$0x18180] =	vst v63  }
0x5c: {  	s30 =	simm.s32 $0xB980  }
0x5d: {  	[tilespmem:s30], [sflag:$0x1] =	stream.indirect_vreg.gather [hbm4b:s9+s4], $0x80, v3, vm0, $0xb8;
	[tilespmem:$0x18180] =	vst v63  }
0x5e: {  	v3 =	vld [tilespmem:$0xB0];
	_ =	sdelay $0x4  }
0x5f: {  	v43 =	vshll.u32 v3, $0x3  }
0x60: {  	v3 =	vand.u32 $0x7, v3;
	v4 =	vand.u32 $0xFFFFFFC0, v43  }
0x61: {  	v3 =	vor.u32 v3, v4  }
0x62: {  	v4 =	vperm.xlane v3, v0;
	_ =	sdelay $0x1  }
0x63: {  	v4 =	vadd.s32 v1, v4;
	_ =	sdelay $0x3  }
0x64: {  	s21 =	simm.s32 $0xC180  }
0x65: {  	[tilespmem:s21], [sflag:$0x1] =	stream.indirect_vreg.gather [hbm4b:s6+s4], $0x80, v4, vm0, $0xb8;
	[tilespmem:$0x18180] =	vst v63  }
0x66: {  	s22 =	simm.s32 $0xC980;
	v3 =	vperm.xlane v3, v2  }
0x67: {  	[tilespmem:s22], [sflag:$0x1] =	stream.indirect_vreg.gather [hbm4b:s7+s4], $0x80, v4, vm0, $0xb8;
	[tilespmem:$0x18180] =	vst v63  }
0x68: {  	s24 =	simm.s32 $0xD180;
	v3 =	vadd.s32 v1, v3  }
0x69: {  	[tilespmem:s24], [sflag:$0x1] =	stream.indirect_vreg.gather [hbm4b:s8+s4], $0x80, v4, vm0, $0xb8;
	[tilespmem:$0x18180] =	vst v63  }
0x6a: {  	s25 =	simm.s32 $0xD980  }
0x6b: {  	[tilespmem:s25], [sflag:$0x1] =	stream.indirect_vreg.gather [hbm4b:s9+s4], $0x80, v4, vm0, $0xb8;
	[tilespmem:$0x18180] =	vst v63  }
0x6c: {  	s29 =	simm.s32 $0xE180  }
0x6d: {  	[tilespmem:s29], [sflag:$0x1] =	stream.indirect_vreg.gather [hbm4b:s6+s4], $0x80, v3, vm0, $0xb8;
	[tilespmem:$0x18180] =	vst v63  }
0x6e: {  	s30 =	simm.s32 $0xE980  }
0x6f: {  	[tilespmem:s30], [sflag:$0x1] =	stream.indirect_vreg.gather [hbm4b:s7+s4], $0x80, v3, vm0, $0xb8;
	[tilespmem:$0x18180] =	vst v63  }
0x70: {  	s24 =	simm.s32 $0xF180  }
0x71: {  	[tilespmem:s24], [sflag:$0x1] =	stream.indirect_vreg.gather [hbm4b:s8+s4], $0x80, v3, vm0, $0xb8;
	[tilespmem:$0x18180] =	vst v63  }
0x72: {  	s25 =	simm.s32 $0xF980  }
0x73: {  	[tilespmem:s25], [sflag:$0x1] =	stream.indirect_vreg.gather [hbm4b:s9+s4], $0x80, v3, vm0, $0xb8;
	[tilespmem:$0x18180] =	vst v63  }
0x74: {  	v3 =	vld [tilespmem:$0xC0];
	_ =	sdelay $0x4  }
0x75: {  	v44 =	vshll.u32 v3, $0x3  }
0x76: {  	v3 =	vand.u32 $0x7, v3;
	v4 =	vand.u32 $0xFFFFFFC0, v44  }
0x77: {  	v3 =	vor.u32 v3, v4  }
0x78: {  	v4 =	vperm.xlane v3, v0;
	_ =	sdelay $0x1  }
0x79: {  	v4 =	vadd.s32 v1, v4;
	_ =	sdelay $0x3  }
0x7a: {  	s29 =	simm.s32 $0x10180  }
0x7b: {  	[tilespmem:s29], [sflag:$0x1] =	stream.indirect_vreg.gather [hbm4b:s6+s4], $0x80, v4, vm0, $0xb8;
	[tilespmem:$0x18180] =	vst v63  }
0x7c: {  	s30 =	simm.s32 $0x10980;
	v3 =	vperm.xlane v3, v2  }
0x7d: {  	[tilespmem:s30], [sflag:$0x1] =	stream.indirect_vreg.gather [hbm4b:s7+s4], $0x80, v4, vm0, $0xb8;
	[tilespmem:$0x18180] =	vst v63  }
0x7e: {  	s24 =	simm.s32 $0x11180;
	v3 =	vadd.s32 v1, v3  }
0x7f: {  	[tilespmem:s24], [sflag:$0x1] =	stream.indirect_vreg.gather [hbm4b:s8+s4], $0x80, v4, vm0, $0xb8;
	[tilespmem:$0x18180] =	vst v63  }
0x80: {  	s25 =	simm.s32 $0x11980  }
0x81: {  	[tilespmem:s25], [sflag:$0x1] =	stream.indirect_vreg.gather [hbm4b:s9+s4], $0x80, v4, vm0, $0xb8;
	[tilespmem:$0x18180] =	vst v63  }
0x82: {  	s29 =	simm.s32 $0x12180  }
0x83: {  	[tilespmem:s29], [sflag:$0x1] =	stream.indirect_vreg.gather [hbm4b:s6+s4], $0x80, v3, vm0, $0xb8;
	[tilespmem:$0x18180] =	vst v63  }
0x84: {  	s30 =	simm.s32 $0x12980  }
0x85: {  	[tilespmem:s30], [sflag:$0x1] =	stream.indirect_vreg.gather [hbm4b:s7+s4], $0x80, v3, vm0, $0xb8;
	[tilespmem:$0x18180] =	vst v63  }
0x86: {  	s29 =	simm.s32 $0x13180  }
0x87: {  	[tilespmem:s29], [sflag:$0x1] =	stream.indirect_vreg.gather [hbm4b:s8+s4], $0x80, v3, vm0, $0xb8;
	[tilespmem:$0x18180] =	vst v63  }
0x88: {  	s30 =	simm.s32 $0x13980  }
0x89: {  	[tilespmem:s30], [sflag:$0x1] =	stream.indirect_vreg.gather [hbm4b:s9+s4], $0x80, v3, vm0, $0xb8;
	[tilespmem:$0x18180] =	vst v63  }
0x8a: {  	v3 =	vld [tilespmem:$0xD0];
	_ =	sdelay $0x4  }
0x8b: {  	v45 =	vshll.u32 v3, $0x3  }
0x8c: {  	v3 =	vand.u32 $0x7, v3;
	v4 =	vand.u32 $0xFFFFFFC0, v45  }
0x8d: {  	v3 =	vor.u32 v3, v4  }
0x8e: {  	v4 =	vperm.xlane v3, v0;
	_ =	sdelay $0x1  }
0x8f: {  	v4 =	vadd.s32 v1, v4;
	_ =	sdelay $0x3  }
0x90: {  	s29 =	simm.s32 $0x14180  }
0x91: {  	[tilespmem:s29], [sflag:$0x1] =	stream.indirect_vreg.gather [hbm4b:s6+s4], $0x80, v4, vm0, $0xb8;
	[tilespmem:$0x18180] =	vst v63  }
0x92: {  	s30 =	simm.s32 $0x14980;
	v3 =	vperm.xlane v3, v2  }
0x93: {  	[tilespmem:s30], [sflag:$0x1] =	stream.indirect_vreg.gather [hbm4b:s7+s4], $0x80, v4, vm0, $0xb8;
	[tilespmem:$0x18180] =	vst v63  }
0x94: {  	v3 =	vadd.s32 v1, v3;
	s29 =	simm.s32 $0x15180  }
0x95: {  	[tilespmem:s29], [sflag:$0x1] =	stream.indirect_vreg.gather [hbm4b:s8+s4], $0x80, v4, vm0, $0xb8;
	[tilespmem:$0x18180] =	vst v63  }
0x96: {  	s30 =	simm.s32 $0x15980  }
0x97: {  	[tilespmem:s30], [sflag:$0x1] =	stream.indirect_vreg.gather [hbm4b:s9+s4], $0x80, v4, vm0, $0xb8;
	[tilespmem:$0x18180] =	vst v63  }
0x98: {  	s29 =	simm.s32 $0x16180  }
0x99: {  	[tilespmem:s29], [sflag:$0x1] =	stream.indirect_vreg.gather [hbm4b:s6+s4], $0x80, v3, vm0, $0xb8;
	[tilespmem:$0x18180] =	vst v63  }
0x9a: {  	s30 =	simm.s32 $0x16980  }
0x9b: {  	[tilespmem:s30], [sflag:$0x1] =	stream.indirect_vreg.gather [hbm4b:s7+s4], $0x80, v3, vm0, $0xb8;
	[tilespmem:$0x18180] =	vst v63  }
0x9c: {  	s30 =	simm.s32 $0x17180  }
0x9d: {  	[tilespmem:s30], [sflag:$0x1] =	stream.indirect_vreg.gather [hbm4b:s8+s4], $0x80, v3, vm0, $0xb8;
	[tilespmem:$0x18180] =	vst v63  }
0x9e: {  	s30 =	simm.s32 $0x17980  }
0x9f: {  	[tilespmem:s30], [sflag:$0x1] =	stream.indirect_vreg.gather [hbm4b:s9+s4], $0x80, v3, vm0, $0xb8;
	[tilespmem:$0x18180] =	vst v63  }
0xa0: {  	_ =	swait.ge [sflag:s18], $0x18000  }
0xa1: {  	[sflag:s18] =	ssyncset.done $0x0  }
0xa2: {  	[sflag:s18] =	ssyncadd.s32 $0xFFFE8000  }
0xa3: {  	v3 =	vld [tilespmem:$0x0];
	_ =	sdelay $0x4  }
0xa4: {  	v46 =	vshll.u32 v3, $0x3  }
0xa5: {  	v3 =	vand.u32 $0x7, v3;
	v4 =	vand.u32 $0xFFFFFFC0, v46  }
0xa6: {  	v3 =	vor.u32 v3, v4  }
0xa7: {  	v4 =	vperm.xlane v3, v0;
	_ =	sdelay $0x1  }
0xa8: {  	v4 =	vadd.s32 v1, v4;
	_ =	sdelay $0x3  }
0xa9: {  	s3 =	simm.s32 $0x180;
	s30 =	rddreg [dreg:$0x1]  }
0xaa: {  	[hbm4b:s30+s4] =	stream.indirect_vreg.scatter [tilespmem:s3], [sflag:$0x1], $0x80, v4, vm0, $0xb8;
	[tilespmem:$0x18180] =	vst v63  }
0xab: {  	s31 =	simm.s32 $0x980;
	v3 =	vperm.xlane v3, v2  }
0xac: {  	[hbm4b:s10+s4] =	stream.indirect_vreg.scatter [tilespmem:s31], [sflag:$0x1], $0x80, v4, vm0, $0xb8;
	[tilespmem:$0x18180] =	vst v63  }
0xad: {  	s26 =	simm.s32 $0x1180;
	v3 =	vadd.s32 v1, v3  }
0xae: {  	[hbm4b:s11+s4] =	stream.indirect_vreg.scatter [tilespmem:s26], [sflag:$0x1], $0x80, v4, vm0, $0xb8;
	[tilespmem:$0x18180] =	vst v63  }
0xaf: {  	s2 =	simm.s32 $0x1980  }
0xb0: {  	[hbm4b:s12+s4] =	stream.indirect_vreg.scatter [tilespmem:s2], [sflag:$0x1], $0x80, v4, vm0, $0xb8;
	[tilespmem:$0x18180] =	vst v63  }
0xb1: {  	s31 =	simm.s32 $0x2180  }
0xb2: {  	[hbm4b:s30+s4] =	stream.indirect_vreg.scatter [tilespmem:s31], [sflag:$0x1], $0x80, v3, vm0, $0xb8;
	[tilespmem:$0x18180] =	vst v63  }
0xb3: {  	s2 =	simm.s32 $0x2980  }
0xb4: {  	[hbm4b:s10+s4] =	stream.indirect_vreg.scatter [tilespmem:s2], [sflag:$0x1], $0x80, v3, vm0, $0xb8;
	[tilespmem:$0x18180] =	vst v63  }
0xb5: {  	s3 =	simm.s32 $0x3180  }
0xb6: {  	[hbm4b:s11+s4] =	stream.indirect_vreg.scatter [tilespmem:s3], [sflag:$0x1], $0x80, v3, vm0, $0xb8;
	[tilespmem:$0x18180] =	vst v63  }
0xb7: {  	s28 =	simm.s32 $0x3980  }
0xb8: {  	[hbm4b:s12+s4] =	stream.indirect_vreg.scatter [tilespmem:s28], [sflag:$0x1], $0x80, v3, vm0, $0xb8;
	[tilespmem:$0x18180] =	vst v63  }
0xb9: {  	v3 =	vld [tilespmem:$0x10];
	_ =	sdelay $0x4  }
0xba: {  	v47 =	vshll.u32 v3, $0x3  }
0xbb: {  	v3 =	vand.u32 $0x7, v3;
	v4 =	vand.u32 $0xFFFFFFC0, v47  }
0xbc: {  	v3 =	vor.u32 v3, v4  }
0xbd: {  	v4 =	vperm.xlane v3, v0;
	_ =	sdelay $0x1  }
0xbe: {  	v4 =	vadd.s32 v1, v4;
	_ =	sdelay $0x3  }
0xbf: {  	s1 =	simm.s32 $0x4180  }
0xc0: {  	[hbm4b:s30+s4] =	stream.indirect_vreg.scatter [tilespmem:s1], [sflag:$0x1], $0x80, v4, vm0, $0xb8;
	[tilespmem:$0x18180] =	vst v63  }
0xc1: {  	s5 =	simm.s32 $0x4980;
	v3 =	vperm.xlane v3, v2  }
0xc2: {  	[hbm4b:s10+s4] =	stream.indirect_vreg.scatter [tilespmem:s5], [sflag:$0x1], $0x80, v4, vm0, $0xb8;
	[tilespmem:$0x18180] =	vst v63  }
0xc3: {  	s19 =	simm.s32 $0x5180;
	v3 =	vadd.s32 v1, v3  }
0xc4: {  	[hbm4b:s11+s4] =	stream.indirect_vreg.scatter [tilespmem:s19], [sflag:$0x1], $0x80, v4, vm0, $0xb8;
	[tilespmem:$0x18180] =	vst v63  }
0xc5: {  	s19 =	simm.s32 $0x5980  }
0xc6: {  	[hbm4b:s12+s4] =	stream.indirect_vreg.scatter [tilespmem:s19], [sflag:$0x1], $0x80, v4, vm0, $0xb8;
	[tilespmem:$0x18180] =	vst v63  }
0xc7: {  	s1 =	simm.s32 $0x6180  }
0xc8: {  	[hbm4b:s30+s4] =	stream.indirect_vreg.scatter [tilespmem:s1], [sflag:$0x1], $0x80, v3, vm0, $0xb8;
	[tilespmem:$0x18180] =	vst v63  }
0xc9: {  	s5 =	simm.s32 $0x6980  }
0xca: {  	[hbm4b:s10+s4] =	stream.indirect_vreg.scatter [tilespmem:s5], [sflag:$0x1], $0x80, v3, vm0, $0xb8;
	[tilespmem:$0x18180] =	vst v63  }
0xcb: {  	s23 =	simm.s32 $0x7180  }
0xcc: {  	[hbm4b:s11+s4] =	stream.indirect_vreg.scatter [tilespmem:s23], [sflag:$0x1], $0x80, v3, vm0, $0xb8;
	[tilespmem:$0x18180] =	vst v63  }
0xcd: {  	s20 =	simm.s32 $0x7980  }
0xce: {  	[hbm4b:s12+s4] =	stream.indirect_vreg.scatter [tilespmem:s20], [sflag:$0x1], $0x80, v3, vm0, $0xb8;
	[tilespmem:$0x18180] =	vst v63  }
0xcf: {  	v3 =	vld [tilespmem:$0x20];
	_ =	sdelay $0x4  }
0xd0: {  	v48 =	vshll.u32 v3, $0x3  }
0xd1: {  	v3 =	vand.u32 $0x7, v3;
	v4 =	vand.u32 $0xFFFFFFC0, v48  }
0xd2: {  	v3 =	vor.u32 v3, v4  }
0xd3: {  	v4 =	vperm.xlane v3, v0;
	_ =	sdelay $0x1  }
0xd4: {  	v4 =	vadd.s32 v1, v4;
	_ =	sdelay $0x3  }
0xd5: {  	s23 =	simm.s32 $0x8180  }
0xd6: {  	[hbm4b:s30+s4] =	stream.indirect_vreg.scatter [tilespmem:s23], [sflag:$0x1], $0x80, v4, vm0, $0xb8;
	[tilespmem:$0x18180] =	vst v63  }
0xd7: {  	s20 =	simm.s32 $0x8980;
	v3 =	vperm.xlane v3, v2  }
0xd8: {  	[hbm4b:s10+s4] =	stream.indirect_vreg.scatter [tilespmem:s20], [sflag:$0x1], $0x80, v4, vm0, $0xb8;
	[tilespmem:$0x18180] =	vst v63  }
0xd9: {  	s26 =	simm.s32 $0x9180;
	v3 =	vadd.s32 v1, v3  }
0xda: {  	[hbm4b:s11+s4] =	stream.indirect_vreg.scatter [tilespmem:s26], [sflag:$0x1], $0x80, v4, vm0, $0xb8;
	[tilespmem:$0x18180] =	vst v63  }
0xdb: {  	s1 =	simm.s32 $0x9980  }
0xdc: {  	[hbm4b:s12+s4] =	stream.indirect_vreg.scatter [tilespmem:s1], [sflag:$0x1], $0x80, v4, vm0, $0xb8;
	[tilespmem:$0x18180] =	vst v63  }
0xdd: {  	s17 =	simm.s32 $0xA180  }
0xde: {  	[hbm4b:s30+s4] =	stream.indirect_vreg.scatter [tilespmem:s17], [sflag:$0x1], $0x80, v3, vm0, $0xb8;
	[tilespmem:$0x18180] =	vst v63  }
0xdf: {  	s17 =	simm.s32 $0xA980  }
0xe0: {  	[hbm4b:s10+s4] =	stream.indirect_vreg.scatter [tilespmem:s17], [sflag:$0x1], $0x80, v3, vm0, $0xb8;
	[tilespmem:$0x18180] =	vst v63  }
0xe1: {  	s5 =	simm.s32 $0xB180  }
0xe2: {  	[hbm4b:s11+s4] =	stream.indirect_vreg.scatter [tilespmem:s5], [sflag:$0x1], $0x80, v3, vm0, $0xb8;
	[tilespmem:$0x18180] =	vst v63  }
0xe3: {  	s28 =	simm.s32 $0xB980  }
0xe4: {  	[hbm4b:s12+s4] =	stream.indirect_vreg.scatter [tilespmem:s28], [sflag:$0x1], $0x80, v3, vm0, $0xb8;
	[tilespmem:$0x18180] =	vst v63  }
0xe5: {  	v3 =	vld [tilespmem:$0x30];
	_ =	sdelay $0x4  }
0xe6: {  	v49 =	vshll.u32 v3, $0x3  }
0xe7: {  	v3 =	vand.u32 $0x7, v3;
	v4 =	vand.u32 $0xFFFFFFC0, v49  }
0xe8: {  	v3 =	vor.u32 v3, v4  }
0xe9: {  	v4 =	vperm.xlane v3, v0;
	_ =	sdelay $0x1  }
0xea: {  	v4 =	vadd.s32 v1, v4;
	_ =	sdelay $0x3  }
0xeb: {  	s0 =	simm.s32 $0xC180  }
0xec: {  	[hbm4b:s30+s4] =	stream.indirect_vreg.scatter [tilespmem:s0], [sflag:$0x1], $0x80, v4, vm0, $0xb8;
	[tilespmem:$0x18180] =	vst v63  }
0xed: {  	s26 =	simm.s32 $0xC980;
	v3 =	vperm.xlane v3, v2  }
0xee: {  	[hbm4b:s10+s4] =	stream.indirect_vreg.scatter [tilespmem:s26], [sflag:$0x1], $0x80, v4, vm0, $0xb8;
	[tilespmem:$0x18180] =	vst v63  }
0xef: {  	s21 =	simm.s32 $0xD180;
	v3 =	vadd.s32 v1, v3  }
0xf0: {  	[hbm4b:s11+s4] =	stream.indirect_vreg.scatter [tilespmem:s21], [sflag:$0x1], $0x80, v4, vm0, $0xb8;
	[tilespmem:$0x18180] =	vst v63  }
0xf1: {  	s21 =	simm.s32 $0xD980  }
0xf2: {  	[hbm4b:s12+s4] =	stream.indirect_vreg.scatter [tilespmem:s21], [sflag:$0x1], $0x80, v4, vm0, $0xb8;
	[tilespmem:$0x18180] =	vst v63  }
0xf3: {  	s22 =	simm.s32 $0xE180  }
0xf4: {  	[hbm4b:s30+s4] =	stream.indirect_vreg.scatter [tilespmem:s22], [sflag:$0x1], $0x80, v3, vm0, $0xb8;
	[tilespmem:$0x18180] =	vst v63  }
0xf5: {  	s22 =	simm.s32 $0xE980  }
0xf6: {  	[hbm4b:s10+s4] =	stream.indirect_vreg.scatter [tilespmem:s22], [sflag:$0x1], $0x80, v3, vm0, $0xb8;
	[tilespmem:$0x18180] =	vst v63  }
0xf7: {  	s23 =	simm.s32 $0xF180  }
0xf8: {  	[hbm4b:s11+s4] =	stream.indirect_vreg.scatter [tilespmem:s23], [sflag:$0x1], $0x80, v3, vm0, $0xb8;
	[tilespmem:$0x18180] =	vst v63  }
0xf9: {  	s28 =	simm.s32 $0xF980  }
0xfa: {  	[hbm4b:s12+s4] =	stream.indirect_vreg.scatter [tilespmem:s28], [sflag:$0x1], $0x80, v3, vm0, $0xb8;
	[tilespmem:$0x18180] =	vst v63  }
0xfb: {  	v3 =	vld [tilespmem:$0x40];
	_ =	sdelay $0x4  }
0xfc: {  	v50 =	vshll.u32 v3, $0x3  }
0xfd: {  	v3 =	vand.u32 $0x7, v3;
	v4 =	vand.u32 $0xFFFFFFC0, v50  }
0xfe: {  	v3 =	vor.u32 v3, v4  }
0xff: {  	v4 =	vperm.xlane v3, v0;
	_ =	sdelay $0x1  }
0x100: {  	v4 =	vadd.s32 v1, v4;
	_ =	sdelay $0x3  }
0x101: {  	s0 =	simm.s32 $0x10180  }
0x102: {  	[hbm4b:s30+s4] =	stream.indirect_vreg.scatter [tilespmem:s0], [sflag:$0x1], $0x80, v4, vm0, $0xb8;
	[tilespmem:$0x18180] =	vst v63  }
0x103: {  	s28 =	simm.s32 $0x10980;
	v3 =	vperm.xlane v3, v2  }
0x104: {  	[hbm4b:s10+s4] =	stream.indirect_vreg.scatter [tilespmem:s28], [sflag:$0x1], $0x80, v4, vm0, $0xb8;
	[tilespmem:$0x18180] =	vst v63  }
0x105: {  	s24 =	simm.s32 $0x11180;
	v3 =	vadd.s32 v1, v3  }
0x106: {  	[hbm4b:s11+s4] =	stream.indirect_vreg.scatter [tilespmem:s24], [sflag:$0x1], $0x80, v4, vm0, $0xb8;
	[tilespmem:$0x18180] =	vst v63  }
0x107: {  	s24 =	simm.s32 $0x11980  }
0x108: {  	[hbm4b:s12+s4] =	stream.indirect_vreg.scatter [tilespmem:s24], [sflag:$0x1], $0x80, v4, vm0, $0xb8;
	[tilespmem:$0x18180] =	vst v63  }
0x109: {  	s25 =	simm.s32 $0x12180  }
0x10a: {  	[hbm4b:s30+s4] =	stream.indirect_vreg.scatter [tilespmem:s25], [sflag:$0x1], $0x80, v3, vm0, $0xb8;
	[tilespmem:$0x18180] =	vst v63  }
0x10b: {  	s25 =	simm.s32 $0x12980  }
0x10c: {  	[hbm4b:s10+s4] =	stream.indirect_vreg.scatter [tilespmem:s25], [sflag:$0x1], $0x80, v3, vm0, $0xb8;
	[tilespmem:$0x18180] =	vst v63  }
0x10d: {  	s26 =	simm.s32 $0x13180  }
0x10e: {  	[hbm4b:s11+s4] =	stream.indirect_vreg.scatter [tilespmem:s26], [sflag:$0x1], $0x80, v3, vm0, $0xb8;
	[tilespmem:$0x18180] =	vst v63  }
0x10f: {  	s0 =	simm.s32 $0x13980  }
0x110: {  	[hbm4b:s12+s4] =	stream.indirect_vreg.scatter [tilespmem:s0], [sflag:$0x1], $0x80, v3, vm0, $0xb8;
	[tilespmem:$0x18180] =	vst v63  }
0x111: {  	v3 =	vld [tilespmem:$0x50];
	_ =	sdelay $0x4  }
0x112: {  	v51 =	vshll.u32 v3, $0x3  }
0x113: {  	v3 =	vand.u32 $0x7, v3;
	v4 =	vand.u32 $0xFFFFFFC0, v51  }
0x114: {  	v3 =	vor.u32 v3, v4  }
0x115: {  	v4 =	vperm.xlane v3, v0;
	_ =	sdelay $0x1  }
0x116: {  	v4 =	vadd.s32 v1, v4;
	_ =	sdelay $0x3  }
0x117: {  	s0 =	simm.s32 $0x14180  }
0x118: {  	[hbm4b:s30+s4] =	stream.indirect_vreg.scatter [tilespmem:s0], [sflag:$0x1], $0x80, v4, vm0, $0xb8;
	[tilespmem:$0x18180] =	vst v63  }
0x119: {  	v3 =	vperm.xlane v3, v2;
	s0 =	simm.s32 $0x14980  }
0x11a: {  	[hbm4b:s10+s4] =	stream.indirect_vreg.scatter [tilespmem:s0], [sflag:$0x1], $0x80, v4, vm0, $0xb8;
	[tilespmem:$0x18180] =	vst v63  }
0x11b: {  	s28 =	simm.s32 $0x15180;
	v3 =	vadd.s32 v1, v3  }
0x11c: {  	[hbm4b:s11+s4] =	stream.indirect_vreg.scatter [tilespmem:s28], [sflag:$0x1], $0x80, v4, vm0, $0xb8;
	[tilespmem:$0x18180] =	vst v63  }
0x11d: {  	s28 =	simm.s32 $0x15980  }
0x11e: {  	[hbm4b:s12+s4] =	stream.indirect_vreg.scatter [tilespmem:s28], [sflag:$0x1], $0x80, v4, vm0, $0xb8;
	[tilespmem:$0x18180] =	vst v63  }
0x11f: {  	s29 =	simm.s32 $0x16180  }
0x120: {  	[hbm4b:s30+s4] =	stream.indirect_vreg.scatter [tilespmem:s29], [sflag:$0x1], $0x80, v3, vm0, $0xb8;
	[tilespmem:$0x18180] =	vst v63  }
0x121: {  	s29 =	simm.s32 $0x16980  }
0x122: {  	[hbm4b:s10+s4] =	stream.indirect_vreg.scatter [tilespmem:s29], [sflag:$0x1], $0x80, v3, vm0, $0xb8;
	[tilespmem:$0x18180] =	vst v63  }
0x123: {  	s30 =	simm.s32 $0x17180  }
0x124: {  	[hbm4b:s11+s4] =	stream.indirect_vreg.scatter [tilespmem:s30], [sflag:$0x1], $0x80, v3, vm0, $0xb8;
	[tilespmem:$0x18180] =	vst v63  }
0x125: {  	s0 =	simm.s32 $0x17980  }
0x126: {  	[hbm4b:s12+s4] =	stream.indirect_vreg.scatter [tilespmem:s0], [sflag:$0x1], $0x80, v3, vm0, $0xb8;
	[tilespmem:$0x18180] =	vst v63  }
0x127: {  	_ =	swait.ge [sflag:s18], $0x18000  }
0x128: {  	[sflag:s18] =	ssyncset.done $0x0  }
0x129: {  	[sflag:s18] =	ssyncadd.s32 $0xFFFE8000  }
0x12a: {  	v3 =	vld [tilespmem:$0x100];
	_ =	sdelay $0x4  }
0x12b: {  	v52 =	vshll.u32 v3, $0x3  }
0x12c: {  	v3 =	vand.u32 $0x7, v3;
	v4 =	vand.u32 $0xFFFFFFC0, v52  }
0x12d: {  	v3 =	vor.u32 v3, v4  }
0x12e: {  	v4 =	vperm.xlane v3, v0;
	_ =	sdelay $0x1  }
0x12f: {  	v4 =	vadd.s32 v1, v4;
	_ =	sdelay $0x3  }
0x130: {  	s0 =	simm.s32 $0x180  }
0x131: {  	[tilespmem:s0], [sflag:$0x1] =	stream.indirect_vreg.gather [hbm4b:s6+s4], $0x80, v4, vm0, $0xb8;
	[tilespmem:$0x18180] =	vst v63  }
0x132: {  	v3 =	vperm.xlane v3, v2;
	s0 =	simm.s32 $0x980  }
0x133: {  	[tilespmem:s0], [sflag:$0x1] =	stream.indirect_vreg.gather [hbm4b:s7+s4], $0x80, v4, vm0, $0xb8;
	[tilespmem:$0x18180] =	vst v63  }
0x134: {  	v3 =	vadd.s32 v1, v3;
	s0 =	simm.s32 $0x1180  }
0x135: {  	[tilespmem:s0], [sflag:$0x1] =	stream.indirect_vreg.gather [hbm4b:s8+s4], $0x80, v4, vm0, $0xb8;
	[tilespmem:$0x18180] =	vst v63  }
0x136: {  	s0 =	simm.s32 $0x1980  }
0x137: {  	[tilespmem:s0], [sflag:$0x1] =	stream.indirect_vreg.gather [hbm4b:s9+s4], $0x80, v4, vm0, $0xb8;
	[tilespmem:$0x18180] =	vst v63  }
0x138: {  	_ = 	snop  }
0x139: {  	[tilespmem:s31], [sflag:$0x1] =	stream.indirect_vreg.gather [hbm4b:s6+s4], $0x80, v3, vm0, $0xb8;
	[tilespmem:$0x18180] =	vst v63  }
0x13a: {  	_ = 	snop  }
0x13b: {  	[tilespmem:s2], [sflag:$0x1] =	stream.indirect_vreg.gather [hbm4b:s7+s4], $0x80, v3, vm0, $0xb8;
	[tilespmem:$0x18180] =	vst v63  }
0x13c: {  	_ = 	snop  }
0x13d: {  	[tilespmem:s3], [sflag:$0x1] =	stream.indirect_vreg.gather [hbm4b:s8+s4], $0x80, v3, vm0, $0xb8;
	[tilespmem:$0x18180] =	vst v63  }
0x13e: {  	s0 =	simm.s32 $0x3980  }
0x13f: {  	[tilespmem:s0], [sflag:$0x1] =	stream.indirect_vreg.gather [hbm4b:s9+s4], $0x80, v3, vm0, $0xb8;
	[tilespmem:$0x18180] =	vst v63  }
0x140: {  	v3 =	vld [tilespmem:$0x110];
	_ =	sdelay $0x4  }
0x141: {  	v53 =	vshll.u32 v3, $0x3  }
0x142: {  	v3 =	vand.u32 $0x7, v3;
	v4 =	vand.u32 $0xFFFFFFC0, v53  }
0x143: {  	v3 =	vor.u32 v3, v4  }
0x144: {  	v4 =	vperm.xlane v3, v0;
	_ =	sdelay $0x1  }
0x145: {  	v4 =	vadd.s32 v1, v4;
	_ =	sdelay $0x3  }
0x146: {  	s0 =	simm.s32 $0x4180  }
0x147: {  	[tilespmem:s0], [sflag:$0x1] =	stream.indirect_vreg.gather [hbm4b:s6+s4], $0x80, v4, vm0, $0xb8;
	[tilespmem:$0x18180] =	vst v63  }
0x148: {  	v3 =	vperm.xlane v3, v2;
	s0 =	simm.s32 $0x4980  }
0x149: {  	[tilespmem:s0], [sflag:$0x1] =	stream.indirect_vreg.gather [hbm4b:s7+s4], $0x80, v4, vm0, $0xb8;
	[tilespmem:$0x18180] =	vst v63  }
0x14a: {  	v3 =	vadd.s32 v1, v3;
	s0 =	simm.s32 $0x5180  }
0x14b: {  	[tilespmem:s0], [sflag:$0x1] =	stream.indirect_vreg.gather [hbm4b:s8+s4], $0x80, v4, vm0, $0xb8;
	[tilespmem:$0x18180] =	vst v63  }
0x14c: {  	_ = 	snop  }
0x14d: {  	[tilespmem:s19], [sflag:$0x1] =	stream.indirect_vreg.gather [hbm4b:s9+s4], $0x80, v4, vm0, $0xb8;
	[tilespmem:$0x18180] =	vst v63  }
0x14e: {  	s19 =	simm.s32 $0x6180  }
0x14f: {  	[tilespmem:s19], [sflag:$0x1] =	stream.indirect_vreg.gather [hbm4b:s6+s4], $0x80, v3, vm0, $0xb8;
	[tilespmem:$0x18180] =	vst v63  }
0x150: {  	s0 =	simm.s32 $0x6980  }
0x151: {  	[tilespmem:s0], [sflag:$0x1] =	stream.indirect_vreg.gather [hbm4b:s7+s4], $0x80, v3, vm0, $0xb8;
	[tilespmem:$0x18180] =	vst v63  }
0x152: {  	s0 =	simm.s32 $0x7180  }
0x153: {  	[tilespmem:s0], [sflag:$0x1] =	stream.indirect_vreg.gather [hbm4b:s8+s4], $0x80, v3, vm0, $0xb8;
	[tilespmem:$0x18180] =	vst v63  }
0x154: {  	s0 =	simm.s32 $0x7980  }
0x155: {  	[tilespmem:s0], [sflag:$0x1] =	stream.indirect_vreg.gather [hbm4b:s9+s4], $0x80, v3, vm0, $0xb8;
	[tilespmem:$0x18180] =	vst v63  }
0x156: {  	v3 =	vld [tilespmem:$0x120];
	_ =	sdelay $0x4  }
0x157: {  	v54 =	vshll.u32 v3, $0x3  }
0x158: {  	v3 =	vand.u32 $0x7, v3;
	v4 =	vand.u32 $0xFFFFFFC0, v54  }
0x159: {  	v3 =	vor.u32 v3, v4  }
0x15a: {  	v4 =	vperm.xlane v3, v0;
	_ =	sdelay $0x1  }
0x15b: {  	v4 =	vadd.s32 v1, v4;
	_ =	sdelay $0x3  }
0x15c: {  	s0 =	simm.s32 $0x8180  }
0x15d: {  	[tilespmem:s0], [sflag:$0x1] =	stream.indirect_vreg.gather [hbm4b:s6+s4], $0x80, v4, vm0, $0xb8;
	[tilespmem:$0x18180] =	vst v63  }
0x15e: {  	v3 =	vperm.xlane v3, v2  }
0x15f: {  	[tilespmem:s20], [sflag:$0x1] =	stream.indirect_vreg.gather [hbm4b:s7+s4], $0x80, v4, vm0, $0xb8;
	[tilespmem:$0x18180] =	vst v63  }
0x160: {  	v3 =	vadd.s32 v1, v3;
	s0 =	simm.s32 $0x9180  }
0x161: {  	[tilespmem:s0], [sflag:$0x1] =	stream.indirect_vreg.gather [hbm4b:s8+s4], $0x80, v4, vm0, $0xb8;
	[tilespmem:$0x18180] =	vst v63  }
0x162: {  	_ = 	snop  }
0x163: {  	[tilespmem:s1], [sflag:$0x1] =	stream.indirect_vreg.gather [hbm4b:s9+s4], $0x80, v4, vm0, $0xb8;
	[tilespmem:$0x18180] =	vst v63  }
0x164: {  	s1 =	simm.s32 $0xA180  }
0x165: {  	[tilespmem:s1], [sflag:$0x1] =	stream.indirect_vreg.gather [hbm4b:s6+s4], $0x80, v3, vm0, $0xb8;
	[tilespmem:$0x18180] =	vst v63  }
0x166: {  	_ = 	snop  }
0x167: {  	[tilespmem:s17], [sflag:$0x1] =	stream.indirect_vreg.gather [hbm4b:s7+s4], $0x80, v3, vm0, $0xb8;
	[tilespmem:$0x18180] =	vst v63  }
0x168: {  	_ = 	snop  }
0x169: {  	[tilespmem:s5], [sflag:$0x1] =	stream.indirect_vreg.gather [hbm4b:s8+s4], $0x80, v3, vm0, $0xb8;
	[tilespmem:$0x18180] =	vst v63  }
0x16a: {  	s1 =	simm.s32 $0xB980  }
0x16b: {  	[tilespmem:s1], [sflag:$0x1] =	stream.indirect_vreg.gather [hbm4b:s9+s4], $0x80, v3, vm0, $0xb8;
	[tilespmem:$0x18180] =	vst v63  }
0x16c: {  	v3 =	vld [tilespmem:$0x130];
	_ =	sdelay $0x4  }
0x16d: {  	v55 =	vshll.u32 v3, $0x3  }
0x16e: {  	v3 =	vand.u32 $0x7, v3;
	v4 =	vand.u32 $0xFFFFFFC0, v55  }
0x16f: {  	v3 =	vor.u32 v3, v4  }
0x170: {  	v4 =	vperm.xlane v3, v0;
	_ =	sdelay $0x1  }
0x171: {  	v4 =	vadd.s32 v1, v4;
	_ =	sdelay $0x3  }
0x172: {  	s1 =	simm.s32 $0xC180  }
0x173: {  	[tilespmem:s1], [sflag:$0x1] =	stream.indirect_vreg.gather [hbm4b:s6+s4], $0x80, v4, vm0, $0xb8;
	[tilespmem:$0x18180] =	vst v63  }
0x174: {  	v3 =	vperm.xlane v3, v2;
	s1 =	simm.s32 $0xC980  }
0x175: {  	[tilespmem:s1], [sflag:$0x1] =	stream.indirect_vreg.gather [hbm4b:s7+s4], $0x80, v4, vm0, $0xb8;
	[tilespmem:$0x18180] =	vst v63  }
0x176: {  	v3 =	vadd.s32 v1, v3;
	s1 =	simm.s32 $0xD180  }
0x177: {  	[tilespmem:s1], [sflag:$0x1] =	stream.indirect_vreg.gather [hbm4b:s8+s4], $0x80, v4, vm0, $0xb8;
	[tilespmem:$0x18180] =	vst v63  }
0x178: {  	_ = 	snop  }
0x179: {  	[tilespmem:s21], [sflag:$0x1] =	stream.indirect_vreg.gather [hbm4b:s9+s4], $0x80, v4, vm0, $0xb8;
	[tilespmem:$0x18180] =	vst v63  }
0x17a: {  	s1 =	simm.s32 $0xE180  }
0x17b: {  	[tilespmem:s1], [sflag:$0x1] =	stream.indirect_vreg.gather [hbm4b:s6+s4], $0x80, v3, vm0, $0xb8;
	[tilespmem:$0x18180] =	vst v63  }
0x17c: {  	_ = 	snop  }
0x17d: {  	[tilespmem:s22], [sflag:$0x1] =	stream.indirect_vreg.gather [hbm4b:s7+s4], $0x80, v3, vm0, $0xb8;
	[tilespmem:$0x18180] =	vst v63  }
0x17e: {  	_ = 	snop  }
0x17f: {  	[tilespmem:s23], [sflag:$0x1] =	stream.indirect_vreg.gather [hbm4b:s8+s4], $0x80, v3, vm0, $0xb8;
	[tilespmem:$0x18180] =	vst v63  }
0x180: {  	s1 =	simm.s32 $0xF980  }
0x181: {  	[tilespmem:s1], [sflag:$0x1] =	stream.indirect_vreg.gather [hbm4b:s9+s4], $0x80, v3, vm0, $0xb8;
	[tilespmem:$0x18180] =	vst v63  }
0x182: {  	v3 =	vld [tilespmem:$0x140];
	_ =	sdelay $0x4  }
0x183: {  	v56 =	vshll.u32 v3, $0x3  }
0x184: {  	v3 =	vand.u32 $0x7, v3;
	v4 =	vand.u32 $0xFFFFFFC0, v56  }
0x185: {  	v3 =	vor.u32 v3, v4  }
0x186: {  	v4 =	vperm.xlane v3, v0;
	_ =	sdelay $0x1  }
0x187: {  	v4 =	vadd.s32 v1, v4;
	_ =	sdelay $0x3  }
0x188: {  	s1 =	simm.s32 $0x10180  }
0x189: {  	[tilespmem:s1], [sflag:$0x1] =	stream.indirect_vreg.gather [hbm4b:s6+s4], $0x80, v4, vm0, $0xb8;
	[tilespmem:$0x18180] =	vst v63  }
0x18a: {  	v3 =	vperm.xlane v3, v2;
	s1 =	simm.s32 $0x10980  }
0x18b: {  	[tilespmem:s1], [sflag:$0x1] =	stream.indirect_vreg.gather [hbm4b:s7+s4], $0x80, v4, vm0, $0xb8;
	[tilespmem:$0x18180] =	vst v63  }
0x18c: {  	v3 =	vadd.s32 v1, v3;
	s1 =	simm.s32 $0x11180  }
0x18d: {  	[tilespmem:s1], [sflag:$0x1] =	stream.indirect_vreg.gather [hbm4b:s8+s4], $0x80, v4, vm0, $0xb8;
	[tilespmem:$0x18180] =	vst v63  }
0x18e: {  	_ = 	snop  }
0x18f: {  	[tilespmem:s24], [sflag:$0x1] =	stream.indirect_vreg.gather [hbm4b:s9+s4], $0x80, v4, vm0, $0xb8;
	[tilespmem:$0x18180] =	vst v63  }
0x190: {  	s1 =	simm.s32 $0x12180  }
0x191: {  	[tilespmem:s1], [sflag:$0x1] =	stream.indirect_vreg.gather [hbm4b:s6+s4], $0x80, v3, vm0, $0xb8;
	[tilespmem:$0x18180] =	vst v63  }
0x192: {  	_ = 	snop  }
0x193: {  	[tilespmem:s25], [sflag:$0x1] =	stream.indirect_vreg.gather [hbm4b:s7+s4], $0x80, v3, vm0, $0xb8;
	[tilespmem:$0x18180] =	vst v63  }
0x194: {  	_ = 	snop  }
0x195: {  	[tilespmem:s26], [sflag:$0x1] =	stream.indirect_vreg.gather [hbm4b:s8+s4], $0x80, v3, vm0, $0xb8;
	[tilespmem:$0x18180] =	vst v63  }
0x196: {  	s1 =	simm.s32 $0x13980  }
0x197: {  	[tilespmem:s1], [sflag:$0x1] =	stream.indirect_vreg.gather [hbm4b:s9+s4], $0x80, v3, vm0, $0xb8;
	[tilespmem:$0x18180] =	vst v63  }
0x198: {  	v3 =	vld [tilespmem:$0x150];
	_ =	sdelay $0x4  }
0x199: {  	v57 =	vshll.u32 v3, $0x3  }
0x19a: {  	v3 =	vand.u32 $0x7, v3;
	v4 =	vand.u32 $0xFFFFFFC0, v57  }
0x19b: {  	v3 =	vor.u32 v3, v4  }
0x19c: {  	v4 =	vperm.xlane v3, v0;
	_ =	sdelay $0x1  }
0x19d: {  	v4 =	vadd.s32 v1, v4;
	_ =	sdelay $0x3  }
0x19e: {  	s1 =	simm.s32 $0x14180  }
0x19f: {  	[tilespmem:s1], [sflag:$0x1] =	stream.indirect_vreg.gather [hbm4b:s6+s4], $0x80, v4, vm0, $0xb8;
	[tilespmem:$0x18180] =	vst v63  }
0x1a0: {  	v3 =	vperm.xlane v3, v2;
	s1 =	simm.s32 $0x14980  }
0x1a1: {  	[tilespmem:s1], [sflag:$0x1] =	stream.indirect_vreg.gather [hbm4b:s7+s4], $0x80, v4, vm0, $0xb8;
	[tilespmem:$0x18180] =	vst v63  }
0x1a2: {  	v3 =	vadd.s32 v1, v3;
	s1 =	simm.s32 $0x15180  }
0x1a3: {  	[tilespmem:s1], [sflag:$0x1] =	stream.indirect_vreg.gather [hbm4b:s8+s4], $0x80, v4, vm0, $0xb8;
	[tilespmem:$0x18180] =	vst v63  }
0x1a4: {  	_ = 	snop  }
0x1a5: {  	[tilespmem:s28], [sflag:$0x1] =	stream.indirect_vreg.gather [hbm4b:s9+s4], $0x80, v4, vm0, $0xb8;
	[tilespmem:$0x18180] =	vst v63  }
0x1a6: {  	s1 =	simm.s32 $0x16180  }
0x1a7: {  	[tilespmem:s1], [sflag:$0x1] =	stream.indirect_vreg.gather [hbm4b:s6+s4], $0x80, v3, vm0, $0xb8;
	[tilespmem:$0x18180] =	vst v63  }
0x1a8: {  	_ = 	snop  }
0x1a9: {  	[tilespmem:s29], [sflag:$0x1] =	stream.indirect_vreg.gather [hbm4b:s7+s4], $0x80, v3, vm0, $0xb8;
	[tilespmem:$0x18180] =	vst v63  }
0x1aa: {  	_ = 	snop  }
0x1ab: {  	[tilespmem:s30], [sflag:$0x1] =	stream.indirect_vreg.gather [hbm4b:s8+s4], $0x80, v3, vm0, $0xb8;
	[tilespmem:$0x18180] =	vst v63  }
0x1ac: {  	s1 =	simm.s32 $0x17980  }
0x1ad: {  	[tilespmem:s1], [sflag:$0x1] =	stream.indirect_vreg.gather [hbm4b:s9+s4], $0x80, v3, vm0, $0xb8;
	[tilespmem:$0x18180] =	vst v63  }
0x1ae: {  	_ =	swait.ge [sflag:s18], $0x18000  }
0x1af: {  	[sflag:s18] =	ssyncset.done $0x0  }
0x1b0: {  	[sflag:s18] =	ssyncadd.s32 $0xFFFE8000  }
0x1b1: {  	v3 =	vld [tilespmem:$0x0];
	_ =	sdelay $0x4  }
0x1b2: {  	v58 =	vshll.u32 v3, $0x3  }
0x1b3: {  	v3 =	vand.u32 $0x7, v3;
	v4 =	vand.u32 $0xFFFFFFC0, v58  }
0x1b4: {  	v3 =	vor.u32 v3, v4  }
0x1b5: {  	v4 =	vperm.xlane v3, v0;
	_ =	sdelay $0x1  }
0x1b6: {  	v4 =	vadd.s32 v1, v4;
	_ =	sdelay $0x3  }
0x1b7: {  	s1 =	simm.s32 $0x180;
	s0 =	rddreg [dreg:$0x2]  }
0x1b8: {  	[hbm4b:s0+s4] =	stream.indirect_vreg.scatter [tilespmem:s1], [sflag:$0x1], $0x80, v4, vm0, $0xb8;
	[tilespmem:$0x18180] =	vst v63  }
0x1b9: {  	v3 =	vperm.xlane v3, v2;
	s1 =	simm.s32 $0x980  }
0x1ba: {  	[hbm4b:s13+s4] =	stream.indirect_vreg.scatter [tilespmem:s1], [sflag:$0x1], $0x80, v4, vm0, $0xb8;
	[tilespmem:$0x18180] =	vst v63  }
0x1bb: {  	v3 =	vadd.s32 v1, v3;
	s1 =	simm.s32 $0x1180  }
0x1bc: {  	[hbm4b:s14+s4] =	stream.indirect_vreg.scatter [tilespmem:s1], [sflag:$0x1], $0x80, v4, vm0, $0xb8;
	[tilespmem:$0x18180] =	vst v63  }
0x1bd: {  	s1 =	simm.s32 $0x1980  }
0x1be: {  	[hbm4b:s15+s4] =	stream.indirect_vreg.scatter [tilespmem:s1], [sflag:$0x1], $0x80, v4, vm0, $0xb8;
	[tilespmem:$0x18180] =	vst v63  }
0x1bf: {  	s31 =	simm.s32 $0x2180  }
0x1c0: {  	[hbm4b:s0+s4] =	stream.indirect_vreg.scatter [tilespmem:s31], [sflag:$0x1], $0x80, v3, vm0, $0xb8;
	[tilespmem:$0x18180] =	vst v63  }
0x1c1: {  	s2 =	simm.s32 $0x2980  }
0x1c2: {  	[hbm4b:s13+s4] =	stream.indirect_vreg.scatter [tilespmem:s2], [sflag:$0x1], $0x80, v3, vm0, $0xb8;
	[tilespmem:$0x18180] =	vst v63  }
0x1c3: {  	s3 =	simm.s32 $0x3180  }
0x1c4: {  	[hbm4b:s14+s4] =	stream.indirect_vreg.scatter [tilespmem:s3], [sflag:$0x1], $0x80, v3, vm0, $0xb8;
	[tilespmem:$0x18180] =	vst v63  }
0x1c5: {  	s3 =	simm.s32 $0x3980  }
0x1c6: {  	[hbm4b:s15+s4] =	stream.indirect_vreg.scatter [tilespmem:s3], [sflag:$0x1], $0x80, v3, vm0, $0xb8;
	[tilespmem:$0x18180] =	vst v63  }
0x1c7: {  	v3 =	vld [tilespmem:$0x10];
	_ =	sdelay $0x4  }
0x1c8: {  	v59 =	vshll.u32 v3, $0x3  }
0x1c9: {  	v3 =	vand.u32 $0x7, v3;
	v4 =	vand.u32 $0xFFFFFFC0, v59  }
0x1ca: {  	v3 =	vor.u32 v3, v4  }
0x1cb: {  	v4 =	vperm.xlane v3, v0;
	_ =	sdelay $0x1  }
0x1cc: {  	v4 =	vadd.s32 v1, v4;
	_ =	sdelay $0x3  }
0x1cd: {  	s31 =	simm.s32 $0x4180  }
0x1ce: {  	[hbm4b:s0+s4] =	stream.indirect_vreg.scatter [tilespmem:s31], [sflag:$0x1], $0x80, v4, vm0, $0xb8;
	[tilespmem:$0x18180] =	vst v63  }
0x1cf: {  	s2 =	simm.s32 $0x4980;
	v3 =	vperm.xlane v3, v2  }
0x1d0: {  	[hbm4b:s13+s4] =	stream.indirect_vreg.scatter [tilespmem:s2], [sflag:$0x1], $0x80, v4, vm0, $0xb8;
	[tilespmem:$0x18180] =	vst v63  }
0x1d1: {  	s3 =	simm.s32 $0x5180;
	v3 =	vadd.s32 v1, v3  }
0x1d2: {  	[hbm4b:s14+s4] =	stream.indirect_vreg.scatter [tilespmem:s3], [sflag:$0x1], $0x80, v4, vm0, $0xb8;
	[tilespmem:$0x18180] =	vst v63  }
0x1d3: {  	s31 =	simm.s32 $0x5980  }
0x1d4: {  	[hbm4b:s15+s4] =	stream.indirect_vreg.scatter [tilespmem:s31], [sflag:$0x1], $0x80, v4, vm0, $0xb8;
	[tilespmem:$0x18180] =	vst v63  }
0x1d5: {  	s19 =	simm.s32 $0x6180  }
0x1d6: {  	[hbm4b:s0+s4] =	stream.indirect_vreg.scatter [tilespmem:s19], [sflag:$0x1], $0x80, v3, vm0, $0xb8;
	[tilespmem:$0x18180] =	vst v63  }
0x1d7: {  	s1 =	simm.s32 $0x6980  }
0x1d8: {  	[hbm4b:s13+s4] =	stream.indirect_vreg.scatter [tilespmem:s1], [sflag:$0x1], $0x80, v3, vm0, $0xb8;
	[tilespmem:$0x18180] =	vst v63  }
0x1d9: {  	s3 =	simm.s32 $0x7180  }
0x1da: {  	[hbm4b:s14+s4] =	stream.indirect_vreg.scatter [tilespmem:s3], [sflag:$0x1], $0x80, v3, vm0, $0xb8;
	[tilespmem:$0x18180] =	vst v63  }
0x1db: {  	s19 =	simm.s32 $0x7980  }
0x1dc: {  	[hbm4b:s15+s4] =	stream.indirect_vreg.scatter [tilespmem:s19], [sflag:$0x1], $0x80, v3, vm0, $0xb8;
	[tilespmem:$0x18180] =	vst v63  }
0x1dd: {  	v3 =	vld [tilespmem:$0x20];
	_ =	sdelay $0x4  }
0x1de: {  	v60 =	vshll.u32 v3, $0x3  }
0x1df: {  	v3 =	vand.u32 $0x7, v3;
	v4 =	vand.u32 $0xFFFFFFC0, v60  }
0x1e0: {  	v3 =	vor.u32 v3, v4  }
0x1e1: {  	v4 =	vperm.xlane v3, v0;
	_ =	sdelay $0x1  }
0x1e2: {  	v4 =	vadd.s32 v1, v4;
	_ =	sdelay $0x3  }
0x1e3: {  	s31 =	simm.s32 $0x8180  }
0x1e4: {  	[hbm4b:s0+s4] =	stream.indirect_vreg.scatter [tilespmem:s31], [sflag:$0x1], $0x80, v4, vm0, $0xb8;
	[tilespmem:$0x18180] =	vst v63  }
0x1e5: {  	s20 =	simm.s32 $0x8980;
	v3 =	vperm.xlane v3, v2  }
0x1e6: {  	[hbm4b:s13+s4] =	stream.indirect_vreg.scatter [tilespmem:s20], [sflag:$0x1], $0x80, v4, vm0, $0xb8;
	[tilespmem:$0x18180] =	vst v63  }
0x1e7: {  	s1 =	simm.s32 $0x9180;
	v3 =	vadd.s32 v1, v3  }
0x1e8: {  	[hbm4b:s14+s4] =	stream.indirect_vreg.scatter [tilespmem:s1], [sflag:$0x1], $0x80, v4, vm0, $0xb8;
	[tilespmem:$0x18180] =	vst v63  }
0x1e9: {  	s3 =	simm.s32 $0x9980  }
0x1ea: {  	[hbm4b:s15+s4] =	stream.indirect_vreg.scatter [tilespmem:s3], [sflag:$0x1], $0x80, v4, vm0, $0xb8;
	[tilespmem:$0x18180] =	vst v63  }
0x1eb: {  	s19 =	simm.s32 $0xA180  }
0x1ec: {  	[hbm4b:s0+s4] =	stream.indirect_vreg.scatter [tilespmem:s19], [sflag:$0x1], $0x80, v3, vm0, $0xb8;
	[tilespmem:$0x18180] =	vst v63  }
0x1ed: {  	s17 =	simm.s32 $0xA980  }
0x1ee: {  	[hbm4b:s13+s4] =	stream.indirect_vreg.scatter [tilespmem:s17], [sflag:$0x1], $0x80, v3, vm0, $0xb8;
	[tilespmem:$0x18180] =	vst v63  }
0x1ef: {  	s5 =	simm.s32 $0xB180  }
0x1f0: {  	[hbm4b:s14+s4] =	stream.indirect_vreg.scatter [tilespmem:s5], [sflag:$0x1], $0x80, v3, vm0, $0xb8;
	[tilespmem:$0x18180] =	vst v63  }
0x1f1: {  	s20 =	simm.s32 $0xB980  }
0x1f2: {  	[hbm4b:s15+s4] =	stream.indirect_vreg.scatter [tilespmem:s20], [sflag:$0x1], $0x80, v3, vm0, $0xb8;
	[tilespmem:$0x18180] =	vst v63  }
0x1f3: {  	v3 =	vld [tilespmem:$0x30];
	_ =	sdelay $0x4  }
0x1f4: {  	v61 =	vshll.u32 v3, $0x3  }
0x1f5: {  	v3 =	vand.u32 $0x7, v3;
	v4 =	vand.u32 $0xFFFFFFC0, v61  }
0x1f6: {  	v3 =	vor.u32 v3, v4  }
0x1f7: {  	v4 =	vperm.xlane v3, v0;
	_ =	sdelay $0x1  }
0x1f8: {  	v4 =	vadd.s32 v1, v4;
	_ =	sdelay $0x3  }
0x1f9: {  	s31 =	simm.s32 $0xC180  }
0x1fa: {  	[hbm4b:s0+s4] =	stream.indirect_vreg.scatter [tilespmem:s31], [sflag:$0x1], $0x80, v4, vm0, $0xb8;
	[tilespmem:$0x18180] =	vst v63  }
0x1fb: {  	s2 =	simm.s32 $0xC980;
	v3 =	vperm.xlane v3, v2  }
0x1fc: {  	[hbm4b:s13+s4] =	stream.indirect_vreg.scatter [tilespmem:s2], [sflag:$0x1], $0x80, v4, vm0, $0xb8;
	[tilespmem:$0x18180] =	vst v63  }
0x1fd: {  	s3 =	simm.s32 $0xD180;
	v3 =	vadd.s32 v1, v3  }
0x1fe: {  	[hbm4b:s14+s4] =	stream.indirect_vreg.scatter [tilespmem:s3], [sflag:$0x1], $0x80, v4, vm0, $0xb8;
	[tilespmem:$0x18180] =	vst v63  }
0x1ff: {  	s21 =	simm.s32 $0xD980  }
0x200: {  	[hbm4b:s15+s4] =	stream.indirect_vreg.scatter [tilespmem:s21], [sflag:$0x1], $0x80, v4, vm0, $0xb8;
	[tilespmem:$0x18180] =	vst v63  }
0x201: {  	s5 =	simm.s32 $0xE180  }
0x202: {  	[hbm4b:s0+s4] =	stream.indirect_vreg.scatter [tilespmem:s5], [sflag:$0x1], $0x80, v3, vm0, $0xb8;
	[tilespmem:$0x18180] =	vst v63  }
0x203: {  	s22 =	simm.s32 $0xE980  }
0x204: {  	[hbm4b:s13+s4] =	stream.indirect_vreg.scatter [tilespmem:s22], [sflag:$0x1], $0x80, v3, vm0, $0xb8;
	[tilespmem:$0x18180] =	vst v63  }
0x205: {  	s23 =	simm.s32 $0xF180  }
0x206: {  	[hbm4b:s14+s4] =	stream.indirect_vreg.scatter [tilespmem:s23], [sflag:$0x1], $0x80, v3, vm0, $0xb8;
	[tilespmem:$0x18180] =	vst v63  }
0x207: {  	s17 =	simm.s32 $0xF980  }
0x208: {  	[hbm4b:s15+s4] =	stream.indirect_vreg.scatter [tilespmem:s17], [sflag:$0x1], $0x80, v3, vm0, $0xb8;
	[tilespmem:$0x18180] =	vst v63  }
0x209: {  	v3 =	vld [tilespmem:$0x40];
	_ =	sdelay $0x4  }
0x20a: {  	v62 =	vshll.u32 v3, $0x3  }
0x20b: {  	v3 =	vand.u32 $0x7, v3;
	v4 =	vand.u32 $0xFFFFFFC0, v62  }
0x20c: {  	v3 =	vor.u32 v3, v4  }
0x20d: {  	v4 =	vperm.xlane v3, v0;
	_ =	sdelay $0x1  }
0x20e: {  	v4 =	vadd.s32 v1, v4;
	_ =	sdelay $0x3  }
0x20f: {  	s19 =	simm.s32 $0x10180  }
0x210: {  	[hbm4b:s0+s4] =	stream.indirect_vreg.scatter [tilespmem:s19], [sflag:$0x1], $0x80, v4, vm0, $0xb8;
	[tilespmem:$0x18180] =	vst v63  }
0x211: {  	s20 =	simm.s32 $0x10980;
	v3 =	vperm.xlane v3, v2  }
0x212: {  	[hbm4b:s13+s4] =	stream.indirect_vreg.scatter [tilespmem:s20], [sflag:$0x1], $0x80, v4, vm0, $0xb8;
	[tilespmem:$0x18180] =	vst v63  }
0x213: {  	s21 =	simm.s32 $0x11180;
	v3 =	vadd.s32 v1, v3  }
0x214: {  	[hbm4b:s14+s4] =	stream.indirect_vreg.scatter [tilespmem:s21], [sflag:$0x1], $0x80, v4, vm0, $0xb8;
	[tilespmem:$0x18180] =	vst v63  }
0x215: {  	s24 =	simm.s32 $0x11980  }
0x216: {  	[hbm4b:s15+s4] =	stream.indirect_vreg.scatter [tilespmem:s24], [sflag:$0x1], $0x80, v4, vm0, $0xb8;
	[tilespmem:$0x18180] =	vst v63  }
0x217: {  	s22 =	simm.s32 $0x12180  }
0x218: {  	[hbm4b:s0+s4] =	stream.indirect_vreg.scatter [tilespmem:s22], [sflag:$0x1], $0x80, v3, vm0, $0xb8;
	[tilespmem:$0x18180] =	vst v63  }
0x219: {  	s25 =	simm.s32 $0x12980  }
0x21a: {  	[hbm4b:s13+s4] =	stream.indirect_vreg.scatter [tilespmem:s25], [sflag:$0x1], $0x80, v3, vm0, $0xb8;
	[tilespmem:$0x18180] =	vst v63  }
0x21b: {  	s26 =	simm.s32 $0x13180  }
0x21c: {  	[hbm4b:s14+s4] =	stream.indirect_vreg.scatter [tilespmem:s26], [sflag:$0x1], $0x80, v3, vm0, $0xb8;
	[tilespmem:$0x18180] =	vst v63  }
0x21d: {  	s23 =	simm.s32 $0x13980  }
0x21e: {  	[hbm4b:s15+s4] =	stream.indirect_vreg.scatter [tilespmem:s23], [sflag:$0x1], $0x80, v3, vm0, $0xb8;
	[tilespmem:$0x18180] =	vst v63  }
0x21f: {  	v3 =	vld [tilespmem:$0x50];
	_ =	sdelay $0x4  }
0x220: {  	v63 =	vshll.u32 v3, $0x3  }
0x221: {  	v3 =	vand.u32 $0x7, v3;
	v4 =	vand.u32 $0xFFFFFFC0, v63  }
0x222: {  	v3 =	vor.u32 v3, v4  }
0x223: {  	v4 =	vperm.xlane v3, v0;
	_ =	sdelay $0x1  }
0x224: {  	v4 =	vadd.s32 v1, v4;
	_ =	sdelay $0x3  }
0x225: {  	s24 =	simm.s32 $0x14180  }
0x226: {  	[hbm4b:s0+s4] =	stream.indirect_vreg.scatter [tilespmem:s24], [sflag:$0x1], $0x80, v4, vm0, $0xb8;
	[tilespmem:$0x18180] =	vst v63  }
0x227: {  	s25 =	simm.s32 $0x14980;
	v3 =	vperm.xlane v3, v2  }
0x228: {  	[hbm4b:s13+s4] =	stream.indirect_vreg.scatter [tilespmem:s25], [sflag:$0x1], $0x80, v4, vm0, $0xb8;
	[tilespmem:$0x18180] =	vst v63  }
0x229: {  	s26 =	simm.s32 $0x15180;
	v3 =	vadd.s32 v1, v3  }
0x22a: {  	[hbm4b:s14+s4] =	stream.indirect_vreg.scatter [tilespmem:s26], [sflag:$0x1], $0x80, v4, vm0, $0xb8;
	[tilespmem:$0x18180] =	vst v63  }
0x22b: {  	s28 =	simm.s32 $0x15980  }
0x22c: {  	[hbm4b:s15+s4] =	stream.indirect_vreg.scatter [tilespmem:s28], [sflag:$0x1], $0x80, v4, vm0, $0xb8;
	[tilespmem:$0x18180] =	vst v63  }
0x22d: {  	s28 =	simm.s32 $0x16180  }
0x22e: {  	[hbm4b:s0+s4] =	stream.indirect_vreg.scatter [tilespmem:s28], [sflag:$0x1], $0x80, v3, vm0, $0xb8;
	[tilespmem:$0x18180] =	vst v63  }
0x22f: {  	s29 =	simm.s32 $0x16980  }
0x230: {  	[hbm4b:s13+s4] =	stream.indirect_vreg.scatter [tilespmem:s29], [sflag:$0x1], $0x80, v3, vm0, $0xb8;
	[tilespmem:$0x18180] =	vst v63  }
0x231: {  	p0 =	sne.s32 s16, $0x1;
	s30 =	simm.s32 $0x17180  }
0x232: {  	[hbm4b:s14+s4] =	stream.indirect_vreg.scatter [tilespmem:s30], [sflag:$0x1], $0x80, v3, vm0, $0xb8;
	[tilespmem:$0x18180] =	vst v63  }
.Ltmp0:
0x233: {  	s31 =	simm.s32 $0x17980;
	(pc) =	sbr.rel @p0 .LBB2_1-.Ltmp0, $4  }
0x234: {  	[hbm4b:s15+s4] =	stream.indirect_vreg.scatter [tilespmem:s31], [sflag:$0x1], $0x80, v3, vm0, $0xb8;
	[tilespmem:$0x18180] =	vst v63  }
0x235: {  	_ =	swait.ge [sflag:s18], $0x18000  }
0x236: {  	[sflag:s18] =	ssyncset.done $0x0  }
0x237: {  	s16 =	sadd.s32 $0xFFFFFFFF, s16;
	[sflag:s18] =	ssyncadd.s32 $0xFFFE8000  }
0x238: {  	_ =	sfence.sel $0x180000  }
0x239: {  	[bflag:$0x0] =	sbarrier.arrive $0xFFFF  }
0x23a: {  	_ =	strace $0x90000047  }
0x23b: {  	s0 =	stileid.u32;
	[bflag:$0x2] =	sbarrier.arrive $0xFFFF  }
0x23c: {  	p0 =	sne.s32 s0, $0x0;
	s0 =	rddreg [dreg:$0x3]  }
0x23d: {  	s0 =	sadd.s32 @!p0 $0x100000, s0  }
0x23e: {  	[sflag:s0] =	ssyncadd.tile.s32 @!p0 $0x1;
	_ =	shalt  }
.Lfunc_end2:
_tile_overlayer_lowered:
.L_overlay_start_2:
0x23f: {  	(tag) =	ssettag $0x2  }
0x240: {  	s0 =	rddreg [dreg:$0x0];
	s2 =	stileid.u32  }
0x241: {  	s1 =	rddreg [dreg:$0x1];
	p0 =	sne.s32 s2, $0x0  }
0x242: {  	s3 =	rddreg [dreg:$0x2];
	[bflag:$0x3] =	sbarrier.arrive $0xFFFF;
	s2 =	simm.s32 @!p0 $0x1C02  }
0x243: {  	[timem:s3], [sflag:s2] =	dma.local @!p0 [hbm:s0], s1  }
0x244: {  	s0 =	simm.s32 @!p0 $0x2  }
0x245: {  	_ =	swait.ge @!p0 [sflag:s0], s1  }
0x246: {  	s1 =	ssub.s32 @!p0 $0x0, s1;
	[sflag:s0] =	ssyncset.done @!p0 $0x0  }
0x247: {  	[sflag:s0] =	ssyncadd.s32 @!p0 s1  }
0x248: {  	[bflag:$0x3] =	sbarrier.arrive $0xFFFF  }
0x249: {  	_ =	shalt  }

</sc_bundles>
